<compile_context>
chip_gen: v7x
topology: tpu7x:2x2x1
jax: 0.10.2.dev20260603
libtpu: 0.0.44.dev20260713+nightly
codegen_flags: <defaults>
</compile_context>

<pallas_src>
import jax
import jax.numpy as jnp
from jax import lax
from jax.experimental import pallas as pl
from jax.experimental.pallas import tpu as pltpu
from jax.experimental.pallas import tpu_sc as plsc

DIM = 64
BATCH = 16384
HIST = 50

NC = 2
NS = 16
NW = NC * NS
NPASS = 2
RP = BATCH // NW // NPASS
IDS_P = RP * HIST
CHUNK = 128
NCHUNK = IDS_P // CHUNK
RWU = BATCH // NW
UCHUNK = RWU // CHUNK


def _sc_body(item_tab, shop_tab, ids_i_hbm, ids_s_hbm,
             hi_hbm, hs_hbm,
             idsi_v, idss_v, dst_a, dst_b,
             gia, gib, gsa, gsb, rbuf,
             acc_i, acc_s, sem_ia, sem_ib, sem_sa, sem_sb):
    c = lax.axis_index("c")
    s = lax.axis_index("s")
    l0 = s * RP

    zv = jnp.zeros((16,), jnp.float32)
    lane = lax.broadcasted_iota(jnp.int32, (16,), 0)
    fifty = jnp.full((16,), HIST, jnp.int32)

    def zero_rbuf():
        def zero_row(r, carry):
            for k in range(DIM // 16):
                rbuf[r, pl.ds(k * 16, 16)] = zv
            return carry

        lax.fori_loop(0, RP, zero_row, None)

    def fill_dst(dst_v, t):
        base = t * CHUNK
        for j in range(CHUNK // 16):
            pos = (base + j * 16) + lane
            dst_v[pl.ds(j * 16, 16)] = l0 + lax.div(pos, fifty)

    def gather(tab, ids_v, t, gbuf, sem):
        off = pl.multiple_of(t * CHUNK, CHUNK)
        return pltpu.async_copy(tab.at[ids_v.at[pl.ds(off, CHUNK)]],
                                gbuf, sem)

    def drain(gbuf, sem):
        pltpu.make_async_copy(item_tab.at[pl.ds(0, CHUNK)], gbuf, sem).wait()

    for q in range(NPASS):
        g0 = c * (NS * RP * NPASS) + q * (NS * RP) + s * RP
        goff = pl.multiple_of(g0, RP)

        zero_rbuf()
        pltpu.sync_copy(rbuf, acc_i.at[pl.ds(l0, RP)])
        pltpu.sync_copy(rbuf, acc_s.at[pl.ds(l0, RP)])

        ioff = pl.multiple_of(g0 * HIST, IDS_P)
        pltpu.sync_copy(ids_i_hbm.at[pl.ds(ioff, IDS_P)], idsi_v)
        pltpu.sync_copy(ids_s_hbm.at[pl.ds(ioff, IDS_P)], idss_v)

        gather(item_tab, idsi_v, 0, gia, sem_ia)
        gather(shop_tab, idss_v, 0, gsa, sem_sa)

        def step(i, carry):
            t0 = i * 2
            t1 = t0 + 1
            gather(item_tab, idsi_v, t1, gib, sem_ib)
            gather(shop_tab, idss_v, t1, gsb, sem_sb)
            fill_dst(dst_a, t0)
            drain(gia, sem_ia)
            pltpu.sync_copy(gia, acc_i.at[dst_a], add=True)
            drain(gsa, sem_sa)
            pltpu.sync_copy(gsa, acc_s.at[dst_a], add=True)

            @pl.when(i < NCHUNK // 2 - 1)
            def _():
                gather(item_tab, idsi_v, t1 + 1, gia, sem_ia)
                gather(shop_tab, idss_v, t1 + 1, gsa, sem_sa)

            fill_dst(dst_b, t1)
            drain(gib, sem_ib)
            pltpu.sync_copy(gib, acc_i.at[dst_b], add=True)
            drain(gsb, sem_sb)
            pltpu.sync_copy(gsb, acc_s.at[dst_b], add=True)
            return carry

        lax.fori_loop(0, NCHUNK // 2, step, None)

        pltpu.sync_copy(acc_i.at[pl.ds(l0, RP)], rbuf)
        pltpu.sync_copy(rbuf, hi_hbm.at[pl.ds(goff, RP)])
        pltpu.sync_copy(acc_s.at[pl.ds(l0, RP)], rbuf)
        pltpu.sync_copy(rbuf, hs_hbm.at[pl.ds(goff, RP)])



def _user_body(user_tab, uid_hbm, ue_hbm, uid_v, ubuf, sem_u):
    c = lax.axis_index("c")
    s = lax.axis_index("s")
    u0 = c * (NS * RWU) + s * RWU
    uoff = pl.multiple_of(u0, RWU)
    pltpu.sync_copy(uid_hbm.at[pl.ds(uoff, RWU)], uid_v)

    def user_step(u, carry):
        off = pl.multiple_of(u * CHUNK, CHUNK)
        pltpu.async_copy(
            user_tab.at[uid_v.at[pl.ds(off, CHUNK)]], ubuf, sem_u).wait()
        pltpu.sync_copy(ubuf, ue_hbm.at[pl.ds(uoff + off, CHUNK)])
        return carry

    lax.fori_loop(0, UCHUNK, user_step, None)


def _tc_body(hi_ref, hs_ref, ue_ref, w_ref, b_ref, out_ref):
    out_ref[:, 0:DIM] = hi_ref[...] * (1.0 / HIST)
    out_ref[:, DIM:2 * DIM] = hs_ref[...] * (1.0 / HIST)
    mm = jnp.dot(ue_ref[...], w_ref[...], preferred_element_type=jnp.float32)
    out_ref[:, 2 * DIM:3 * DIM] = mm + b_ref[...]


def kernel(item_table, shop_table, user_table, W_u, b_u, item_ids, shop_ids,
           user_ids):
    ids_i = item_ids.astype(jnp.int32).reshape(BATCH * HIST)
    ids_s = shop_ids.astype(jnp.int32).reshape(BATCH * HIST)
    uid = user_ids.astype(jnp.int32)

    mesh = plsc.VectorSubcoreMesh(core_axis_name="c", subcore_axis_name="s")
    sc = pl.kernel(
        _sc_body,
        out_type=(
            jax.ShapeDtypeStruct((BATCH, DIM), jnp.float32),
            jax.ShapeDtypeStruct((BATCH, DIM), jnp.float32),
        ),
        mesh=mesh,
        compiler_params=pltpu.CompilerParams(use_tc_tiling_on_sc=False),
        scratch_types=[
            pltpu.VMEM((IDS_P,), jnp.int32),
            pltpu.VMEM((IDS_P,), jnp.int32),
            pltpu.VMEM((CHUNK,), jnp.int32),
            pltpu.VMEM((CHUNK,), jnp.int32),
            pltpu.VMEM((CHUNK, DIM), jnp.float32),
            pltpu.VMEM((CHUNK, DIM), jnp.float32),
            pltpu.VMEM((CHUNK, DIM), jnp.float32),
            pltpu.VMEM((CHUNK, DIM), jnp.float32),
            pltpu.VMEM((RP, DIM), jnp.float32),
            pltpu.VMEM_SHARED((NS * RP, DIM), jnp.float32),
            pltpu.VMEM_SHARED((NS * RP, DIM), jnp.float32),
            pltpu.SemaphoreType.DMA,
            pltpu.SemaphoreType.DMA,
            pltpu.SemaphoreType.DMA,
            pltpu.SemaphoreType.DMA,
        ],
    )
    hi_sums, hs_sums = sc(item_table, shop_table, ids_i, ids_s)

    user = pl.kernel(
        _user_body,
        out_type=jax.ShapeDtypeStruct((BATCH, DIM), jnp.float32),
        mesh=mesh,
        compiler_params=pltpu.CompilerParams(use_tc_tiling_on_sc=False),
        scratch_types=[
            pltpu.VMEM((RWU,), jnp.int32),
            pltpu.VMEM((CHUNK, DIM), jnp.float32),
            pltpu.SemaphoreType.DMA,
        ],
    )
    ue_rows = user(user_table, uid)

    blk = 512
    out = pl.pallas_call(
        _tc_body,
        grid=(BATCH // blk,),
        in_specs=[
            pl.BlockSpec((blk, DIM), lambda i: (i, 0)),
            pl.BlockSpec((blk, DIM), lambda i: (i, 0)),
            pl.BlockSpec((blk, DIM), lambda i: (i, 0)),
            pl.BlockSpec((DIM, DIM), lambda i: (0, 0)),
            pl.BlockSpec((1, DIM), lambda i: (0, 0)),
        ],
        out_specs=pl.BlockSpec((blk, 3 * DIM), lambda i: (i, 0)),
        out_shape=jax.ShapeDtypeStruct((BATCH, 3 * DIM), jnp.float32),
    )(hi_sums, hs_sums, ue_rows, W_u, b_u.reshape(1, DIM))
    return out

# --- scband reference (transcript-rebuilt; emitter-appended) ---
"""Pipeline reference for scband-cl4-ubr-5875515261078 (READ-ONLY COPY).

The authoritative reference and input builder live on the scoring server;
editing this copy changes nothing except your own understanding.
"""

import jax, jax.numpy as jnp
import numpy as np

ITEM_NUM = 4096
SHOP_NUM = 2048
USER_NUM = 1000000
DIM = 64
K = 256
T_COLS = 512
C_COLS = 256
F_COLS = 128
A_COLS = 128
BATCH = 16384
HIST = 50


def _sprand(key, r, c, density):
    k1, k2 = jax.random.split(key)
    mask = jax.random.uniform(k1, (r, c)) < density
    vals = jax.random.normal(k2, (r, c)) * 0.1
    return jnp.where(mask, vals, 0.0)


def _build_tables(key):
    ks = jax.random.split(key, 16)
    # sparse item relation matrices (modeled densely with sparse density)
    i2i = _sprand(ks[0], ITEM_NUM, ITEM_NUM, 0.005)
    i2t = _sprand(ks[1], ITEM_NUM, T_COLS, 0.02)
    i2c = _sprand(ks[2], ITEM_NUM, C_COLS, 0.02)
    i2f = _sprand(ks[3], ITEM_NUM, F_COLS, 0.05)
    i2a = _sprand(ks[4], ITEM_NUM, A_COLS, 0.05)
    W_l = jax.random.normal(ks[5], (ITEM_NUM, K)) * 0.05
    W_t = jax.random.normal(ks[6], (T_COLS, K)) * 0.05
    W_c = jax.random.normal(ks[7], (C_COLS, K)) * 0.05
    W_f = jax.random.normal(ks[8], (F_COLS, K)) * 0.05
    W_a = jax.random.normal(ks[9], (A_COLS, K)) * 0.05
    W_em = jax.random.normal(ks[10], (K, DIM)) * 0.05
    b_em = jax.random.normal(ks[11], (ITEM_NUM, DIM)) * 0.05
    W_s = jax.random.normal(ks[12], (SHOP_NUM, ITEM_NUM)) * 0.02
    # constructor math from CL4UBR: multi-relation factorized item embedding
    e_l = jnp.tanh(i2i @ W_l)
    e_t = jnp.tanh(i2t @ W_t)
    e_c = jnp.tanh(i2c @ W_c)
    e_f = jnp.tanh(i2f @ W_f)
    e_a = jnp.tanh(i2a @ W_a)
    item_embed = (e_l + e_t + e_c + e_f + e_a) @ W_em + b_em
    shop_embed = W_s @ item_embed
    return item_embed, shop_embed


def setup_inputs(seed: int = 0) -> dict:
    key = jax.random.key(seed)
    ks = jax.random.split(key, 8)
    item_table, shop_table = _build_tables(ks[0])
    user_table = jax.random.normal(ks[1], (USER_NUM, DIM)) * 0.05
    W_u = jax.random.normal(ks[2], (DIM, DIM)) * 0.05
    b_u = jnp.zeros((DIM,), dtype=jnp.float32)
    item_ids = jax.random.randint(ks[3], (BATCH, HIST), 0, ITEM_NUM).astype(jnp.int64)
    shop_ids = jax.random.randint(ks[4], (BATCH, HIST), 0, SHOP_NUM).astype(jnp.int64)
    user_ids = jax.random.randint(ks[5], (BATCH,), 0, USER_NUM).astype(jnp.int64)
    return {
        "item_table": item_table,
        "shop_table": shop_table,
        "user_table": user_table,
        "W_u": W_u,
        "b_u": b_u,
        "item_ids": item_ids,
        "shop_ids": shop_ids,
        "user_ids": user_ids,
    }


def reference(item_table, shop_table, user_table, W_u, b_u, item_ids, shop_ids, user_ids):
    # embedding lookups (gathers) over item/shop/user tables
    ie = jnp.take(item_table, item_ids, axis=0)          # [B, HIST, DIM]
    se = jnp.take(shop_table, shop_ids, axis=0)          # [B, HIST, DIM]
    ue = jnp.take(user_table, user_ids, axis=0) @ W_u + b_u  # [B, DIM]
    hist_i = ie.mean(axis=1)
    hist_s = se.mean(axis=1)
    out = jnp.concatenate([hist_i, hist_s, ue], axis=-1)  # [B, 3*DIM]
    return out

if __name__ == "__main__":
    import jax
    _d = setup_inputs()
    print(jax.jit(kernel)(*tuple(_d.values())))

</pallas_src>

<mosaic_0001>
#map = affine_map<(d0, d1) -> (0, 0)>
#map1 = affine_map<(d0, d1) -> (0)>
module attributes {stable_mosaic.version = 14 : i64} {
  func.func @_sc_body(%arg0: i32, %arg1: i32, %arg2: memref<4096x64xf32, #tpu.memory_space<hbm>>, %arg3: memref<2048x64xf32, #tpu.memory_space<hbm>>, %arg4: memref<819200xi32, #tpu.memory_space<hbm>>, %arg5: memref<819200xi32, #tpu.memory_space<hbm>>, %arg6: memref<16384x64xf32, #tpu.memory_space<hbm>>, %arg7: memref<16384x64xf32, #tpu.memory_space<hbm>>, %arg8: memref<12800xi32, #tpu.memory_space<vmem>>, %arg9: memref<12800xi32, #tpu.memory_space<vmem>>, %arg10: memref<128xi32, #tpu.memory_space<vmem>>, %arg11: memref<128xi32, #tpu.memory_space<vmem>>, %arg12: memref<128x64xf32, #tpu.memory_space<vmem>>, %arg13: memref<128x64xf32, #tpu.memory_space<vmem>>, %arg14: memref<128x64xf32, #tpu.memory_space<vmem>>, %arg15: memref<128x64xf32, #tpu.memory_space<vmem>>, %arg16: memref<256x64xf32, #tpu.memory_space<vmem>>, %arg17: memref<4096x64xf32, #tpu.memory_space<vmem_shared>>, %arg18: memref<4096x64xf32, #tpu.memory_space<vmem_shared>>, %arg19: memref<!tpu.dma_semaphore, #tpu.memory_space<semaphore_mem>>, %arg20: memref<!tpu.dma_semaphore, #tpu.memory_space<semaphore_mem>>, %arg21: memref<!tpu.dma_semaphore, #tpu.memory_space<semaphore_mem>>, %arg22: memref<!tpu.dma_semaphore, #tpu.memory_space<semaphore_mem>>) attributes {dimension_semantics = [#tpu.dimension_semantics<core_parallel>, #tpu.dimension_semantics<subcore_parallel>], iteration_bounds = array<i64: 2, 16>, scalar_prefetch = 0 : i64, scratch_operands = 15 : i64, tpu.core_type = #tpu.core_type<sc_vector_subcore>, window_params = [{transform_indices = #map}, {transform_indices = #map}, {transform_indices = #map1}, {transform_indices = #map1}, {transform_indices = #map}, {transform_indices = #map}]} {
    %mul3A = arith.constant 256 : i32
    %mul3A_0 = arith.muli %arg1, %mul3A : i32
    %broadcast_in_dim3A = arith.constant 0.000000e+00 : f32
    %broadcast_in_dim3A_1 = vector.broadcast %broadcast_in_dim3A : f32 to vector<16xf32>
    %iota3A = tpu.iota {dimensions = array<i32: 0>} : vector<16xi32>
    %broadcast_in_dim3A_2 = arith.constant 50 : i32
    %broadcast_in_dim3A_3 = vector.broadcast %broadcast_in_dim3A_2 : i32 to vector<16xi32>
    %mul3A_4 = arith.constant 8192 : i32
    %mul3A_5 = arith.muli %arg0, %mul3A_4 : i32
    %add3A = arith.constant 0 : i32
    %add3A_6 = arith.addi %mul3A_5, %add3A : i32
    %mul3A_7 = arith.constant 256 : i32
    %mul3A_8 = arith.muli %arg1, %mul3A_7 : i32
    %add3A_9 = arith.addi %add3A_6, %mul3A_8 : i32
    %multiple_of3A = tpu.assume_multiple %add3A_9, 256 : i32
    %scan3A = arith.constant 0 : i32
    %scan3A_10 = arith.constant 256 : i32
    %scan3A_11 = arith.addi %scan3A, %scan3A_10 : i32
    %scan3A_12 = arith.constant 1 : i32
    scf.for %scan3A_66 = %scan3A to %scan3A_11 step %scan3A_12  : i32 {
      %swap3A = arith.index_cast %scan3A_66 : i32 to index
      %swap3A_67 = arith.constant 0 : index
      %swap3A_68 = tpu.vector_load %arg16[%swap3A, %swap3A_67] {strides = array<i32>} : memref<256x64xf32, #tpu.memory_space<vmem>>, vector<1x16xf32>,
      %swap3A_69 = vector.shape_cast %swap3A_68 : vector<1x16xf32> to vector<16xf32>
      %swap3A_70 = vector.shape_cast %broadcast_in_dim3A_1 : vector<16xf32> to vector<1x16xf32>
      tpu.vector_store %arg16[%swap3A, %swap3A_67], %swap3A_70 {strides = array<i32>} : memref<256x64xf32, #tpu.memory_space<vmem>>, vector<1x16xf32>,
      %swap3A_71 = arith.index_cast %scan3A_66 : i32 to index
      %swap3A_72 = arith.constant 16 : index
      %swap3A_73 = tpu.vector_load %arg16[%swap3A_71, %swap3A_72] {strides = array<i32>} : memref<256x64xf32, #tpu.memory_space<vmem>>, vector<1x16xf32>,
      %swap3A_74 = vector.shape_cast %swap3A_73 : vector<1x16xf32> to vector<16xf32>
      %swap3A_75 = vector.shape_cast %broadcast_in_dim3A_1 : vector<16xf32> to vector<1x16xf32>
      tpu.vector_store %arg16[%swap3A_71, %swap3A_72], %swap3A_75 {strides = array<i32>} : memref<256x64xf32, #tpu.memory_space<vmem>>, vector<1x16xf32>,
      %swap3A_76 = arith.index_cast %scan3A_66 : i32 to index
      %swap3A_77 = arith.constant 32 : index
      %swap3A_78 = tpu.vector_load %arg16[%swap3A_76, %swap3A_77] {strides = array<i32>} : memref<256x64xf32, #tpu.memory_space<vmem>>, vector<1x16xf32>,
      %swap3A_79 = vector.shape_cast %swap3A_78 : vector<1x16xf32> to vector<16xf32>
      %swap3A_80 = vector.shape_cast %broadcast_in_dim3A_1 : vector<16xf32> to vector<1x16xf32>
      tpu.vector_store %arg16[%swap3A_76, %swap3A_77], %swap3A_80 {strides = array<i32>} : memref<256x64xf32, #tpu.memory_space<vmem>>, vector<1x16xf32>,
      %swap3A_81 = arith.index_cast %scan3A_66 : i32 to index
      %swap3A_82 = arith.constant 48 : index
      %swap3A_83 = tpu.vector_load %arg16[%swap3A_81, %swap3A_82] {strides = array<i32>} : memref<256x64xf32, #tpu.memory_space<vmem>>, vector<1x16xf32>,
      %swap3A_84 = vector.shape_cast %swap3A_83 : vector<1x16xf32> to vector<16xf32>
      %swap3A_85 = vector.shape_cast %broadcast_in_dim3A_1 : vector<16xf32> to vector<1x16xf32>
      tpu.vector_store %arg16[%swap3A_81, %swap3A_82], %swap3A_85 {strides = array<i32>} : memref<256x64xf32, #tpu.memory_space<vmem>>, vector<1x16xf32>,
    }
    %scan3A_13 = arith.constant 256 : i32
    "tpu.region"() ({
      %run_scoped3A = tpu.sem_alloc : memref<!tpu.dma_semaphore, #tpu.memory_space<semaphore_mem>>
      %dma_start3A_66 = arith.constant 0 : i32
      %dma_start3A_67 = tpu.memref_slice %arg17[%mul3A_0, %dma_start3A_66] : memref<4096x64xf32, #tpu.memory_space<vmem_shared>> -> memref<256x64xf32, #tpu.memory_space<vmem_shared>>
      %dma_start3A_68 = arith.constant 0 : i32
      %dma_start3A_69 = tpu.memref_slice %arg17[%mul3A_0, %dma_start3A_68] : memref<4096x64xf32, #tpu.memory_space<vmem_shared>> -> memref<256x64xf32, #tpu.memory_space<vmem_shared>>
      tpu.enqueue_dma source(%arg16 : memref<256x64xf32, #tpu.memory_space<vmem>>) target(%dma_start3A_69 : memref<256x64xf32, #tpu.memory_space<vmem_shared>>) target_semaphore(%run_scoped3A : memref<!tpu.dma_semaphore, #tpu.memory_space<semaphore_mem>>)
      %dma_wait3A = arith.constant 0 : i32
      %dma_wait3A_70 = tpu.memref_slice %arg17[%mul3A_0, %dma_wait3A] : memref<4096x64xf32, #tpu.memory_space<vmem_shared>> -> memref<256x64xf32, #tpu.memory_space<vmem_shared>>
      %dma_wait3A_71 = arith.constant 0 : i32
      %dma_wait3A_72 = tpu.memref_slice %arg17[%mul3A_0, %dma_wait3A_71] : memref<4096x64xf32, #tpu.memory_space<vmem_shared>> -> memref<256x64xf32, #tpu.memory_space<vmem_shared>>
      tpu.wait_dma2 semaphore(%run_scoped3A : memref<!tpu.dma_semaphore, #tpu.memory_space<semaphore_mem>>) src(%arg16 : memref<256x64xf32, #tpu.memory_space<vmem>>) dst(%dma_wait3A_72 : memref<256x64xf32, #tpu.memory_space<vmem_shared>>)
      tpu.yield
    }) : () -> ()
    "tpu.region"() ({
      %run_scoped3A = tpu.sem_alloc : memref<!tpu.dma_semaphore, #tpu.memory_space<semaphore_mem>>
      %dma_start3A_66 = arith.constant 0 : i32
      %dma_start3A_67 = tpu.memref_slice %arg18[%mul3A_0, %dma_start3A_66] : memref<4096x64xf32, #tpu.memory_space<vmem_shared>> -> memref<256x64xf32, #tpu.memory_space<vmem_shared>>
      %dma_start3A_68 = arith.constant 0 : i32
      %dma_start3A_69 = tpu.memref_slice %arg18[%mul3A_0, %dma_start3A_68] : memref<4096x64xf32, #tpu.memory_space<vmem_shared>> -> memref<256x64xf32, #tpu.memory_space<vmem_shared>>
      tpu.enqueue_dma source(%arg16 : memref<256x64xf32, #tpu.memory_space<vmem>>) target(%dma_start3A_69 : memref<256x64xf32, #tpu.memory_space<vmem_shared>>) target_semaphore(%run_scoped3A : memref<!tpu.dma_semaphore, #tpu.memory_space<semaphore_mem>>)
      %dma_wait3A = arith.constant 0 : i32
      %dma_wait3A_70 = tpu.memref_slice %arg18[%mul3A_0, %dma_wait3A] : memref<4096x64xf32, #tpu.memory_space<vmem_shared>> -> memref<256x64xf32, #tpu.memory_space<vmem_shared>>
      %dma_wait3A_71 = arith.constant 0 : i32
      %dma_wait3A_72 = tpu.memref_slice %arg18[%mul3A_0, %dma_wait3A_71] : memref<4096x64xf32, #tpu.memory_space<vmem_shared>> -> memref<256x64xf32, #tpu.memory_space<vmem_shared>>
      tpu.wait_dma2 semaphore(%run_scoped3A : memref<!tpu.dma_semaphore, #tpu.memory_space<semaphore_mem>>) src(%arg16 : memref<256x64xf32, #tpu.memory_space<vmem>>) dst(%dma_wait3A_72 : memref<256x64xf32, #tpu.memory_space<vmem_shared>>)
      tpu.yield
    }) : () -> ()
    %mul3A_14 = arith.constant 50 : i32
    %mul3A_15 = arith.muli %add3A_9, %mul3A_14 : i32
    %multiple_of3A_16 = tpu.assume_multiple %mul3A_15, 12800 : i32
    "tpu.region"() ({
      %run_scoped3A = tpu.sem_alloc : memref<!tpu.dma_semaphore, #tpu.memory_space<semaphore_mem>>
      %dma_start3A_66 = tpu.memref_slice %arg4[%multiple_of3A_16] : memref<819200xi32, #tpu.memory_space<hbm>> -> memref<12800xi32, #tpu.memory_space<hbm>>
      %dma_start3A_67 = tpu.memref_slice %arg4[%multiple_of3A_16] : memref<819200xi32, #tpu.memory_space<hbm>> -> memref<12800xi32, #tpu.memory_space<hbm>>
      tpu.enqueue_dma source(%dma_start3A_67 : memref<12800xi32, #tpu.memory_space<hbm>>) target(%arg8 : memref<12800xi32, #tpu.memory_space<vmem>>) target_semaphore(%run_scoped3A : memref<!tpu.dma_semaphore, #tpu.memory_space<semaphore_mem>>)
      %dma_wait3A = tpu.memref_slice %arg4[%multiple_of3A_16] : memref<819200xi32, #tpu.memory_space<hbm>> -> memref<12800xi32, #tpu.memory_space<hbm>>
      %dma_wait3A_68 = tpu.memref_slice %arg4[%multiple_of3A_16] : memref<819200xi32, #tpu.memory_space<hbm>> -> memref<12800xi32, #tpu.memory_space<hbm>>
      tpu.wait_dma2 semaphore(%run_scoped3A : memref<!tpu.dma_semaphore, #tpu.memory_space<semaphore_mem>>) src(%dma_wait3A_68 : memref<12800xi32, #tpu.memory_space<hbm>>) dst(%arg8 : memref<12800xi32, #tpu.memory_space<vmem>>)
      tpu.yield
    }) : () -> ()
    "tpu.region"() ({
      %run_scoped3A = tpu.sem_alloc : memref<!tpu.dma_semaphore, #tpu.memory_space<semaphore_mem>>
      %dma_start3A_66 = tpu.memref_slice %arg5[%multiple_of3A_16] : memref<819200xi32, #tpu.memory_space<hbm>> -> memref<12800xi32, #tpu.memory_space<hbm>>
      %dma_start3A_67 = tpu.memref_slice %arg5[%multiple_of3A_16] : memref<819200xi32, #tpu.memory_space<hbm>> -> memref<12800xi32, #tpu.memory_space<hbm>>
      tpu.enqueue_dma source(%dma_start3A_67 : memref<12800xi32, #tpu.memory_space<hbm>>) target(%arg9 : memref<12800xi32, #tpu.memory_space<vmem>>) target_semaphore(%run_scoped3A : memref<!tpu.dma_semaphore, #tpu.memory_space<semaphore_mem>>)
      %dma_wait3A = tpu.memref_slice %arg5[%multiple_of3A_16] : memref<819200xi32, #tpu.memory_space<hbm>> -> memref<12800xi32, #tpu.memory_space<hbm>>
      %dma_wait3A_68 = tpu.memref_slice %arg5[%multiple_of3A_16] : memref<819200xi32, #tpu.memory_space<hbm>> -> memref<12800xi32, #tpu.memory_space<hbm>>
      tpu.wait_dma2 semaphore(%run_scoped3A : memref<!tpu.dma_semaphore, #tpu.memory_space<semaphore_mem>>) src(%dma_wait3A_68 : memref<12800xi32, #tpu.memory_space<hbm>>) dst(%arg9 : memref<12800xi32, #tpu.memory_space<vmem>>)
      tpu.yield
    }) : () -> ()
    %multiple_of3A_17 = arith.constant 0 : i32
    %multiple_of3A_18 = tpu.assume_multiple %multiple_of3A_17, 128 : i32
    %dma_start3A = tpu.memref_slice %arg8[%multiple_of3A_18] : memref<12800xi32, #tpu.memory_space<vmem>> -> memref<128xi32, #tpu.memory_space<vmem>>
    %dma_start3A_19 = arith.constant 0 : i32
    %dma_start3A_20 = arith.constant 0 : i32
    %dma_start3A_21 = tpu.memref_slice %arg2[%dma_start3A_19, %dma_start3A_20] : memref<4096x64xf32, #tpu.memory_space<hbm>> -> memref<4096x64xf32, #tpu.memory_space<hbm>>
    tpu.enqueue_indirect_dma source(%dma_start3A_21 : memref<4096x64xf32, #tpu.memory_space<hbm>>) target(%arg12 : memref<128x64xf32, #tpu.memory_space<vmem>>) offsets(%dma_start3A : memref<128xi32, #tpu.memory_space<vmem>>) semaphore(%arg19 : memref<!tpu.dma_semaphore, #tpu.memory_space<semaphore_mem>>)
    %multiple_of3A_22 = arith.constant 0 : i32
    %multiple_of3A_23 = tpu.assume_multiple %multiple_of3A_22, 128 : i32
    %dma_start3A_24 = tpu.memref_slice %arg9[%multiple_of3A_23] : memref<12800xi32, #tpu.memory_space<vmem>> -> memref<128xi32, #tpu.memory_space<vmem>>
    %dma_start3A_25 = arith.constant 0 : i32
    %dma_start3A_26 = arith.constant 0 : i32
    %dma_start3A_27 = tpu.memref_slice %arg3[%dma_start3A_25, %dma_start3A_26] : memref<2048x64xf32, #tpu.memory_space<hbm>> -> memref<2048x64xf32, #tpu.memory_space<hbm>>
    tpu.enqueue_indirect_dma source(%dma_start3A_27 : memref<2048x64xf32, #tpu.memory_space<hbm>>) target(%arg14 : memref<128x64xf32, #tpu.memory_space<vmem>>) offsets(%dma_start3A_24 : memref<128xi32, #tpu.memory_space<vmem>>) semaphore(%arg21 : memref<!tpu.dma_semaphore, #tpu.memory_space<semaphore_mem>>)
    %scan3A_28 = arith.constant 0 : i32
    %scan3A_29 = arith.constant 50 : i32
    %scan3A_30 = arith.addi %scan3A_28, %scan3A_29 : i32
    %scan3A_31 = arith.constant 1 : i32
    scf.for %scan3A_66 = %scan3A_28 to %scan3A_30 step %scan3A_31  : i32 {
      %mul3A_67 = arith.constant 2 : i32
      %mul3A_68 = arith.muli %scan3A_66, %mul3A_67 : i32
      %add3A_69 = arith.constant 1 : i32
      %add3A_70 = arith.addi %mul3A_68, %add3A_69 : i32
      %mul3A_71 = arith.constant 128 : i32
      %mul3A_72 = arith.muli %add3A_70, %mul3A_71 : i32
      %multiple_of3A_73 = tpu.assume_multiple %mul3A_72, 128 : i32
      %dma_start3A_74 = tpu.memref_slice %arg8[%multiple_of3A_73] : memref<12800xi32, #tpu.memory_space<vmem>> -> memref<128xi32, #tpu.memory_space<vmem>>
      %dma_start3A_75 = arith.constant 0 : i32
      %dma_start3A_76 = arith.constant 0 : i32
      %dma_start3A_77 = tpu.memref_slice %arg2[%dma_start3A_75, %dma_start3A_76] : memref<4096x64xf32, #tpu.memory_space<hbm>> -> memref<4096x64xf32, #tpu.memory_space<hbm>>
      tpu.enqueue_indirect_dma source(%dma_start3A_77 : memref<4096x64xf32, #tpu.memory_space<hbm>>) target(%arg13 : memref<128x64xf32, #tpu.memory_space<vmem>>) offsets(%dma_start3A_74 : memref<128xi32, #tpu.memory_space<vmem>>) semaphore(%arg20 : memref<!tpu.dma_semaphore, #tpu.memory_space<semaphore_mem>>)
      %mul3A_78 = arith.constant 128 : i32
      %mul3A_79 = arith.muli %add3A_70, %mul3A_78 : i32
      %multiple_of3A_80 = tpu.assume_multiple %mul3A_79, 128 : i32
      %dma_start3A_81 = tpu.memref_slice %arg9[%multiple_of3A_80] : memref<12800xi32, #tpu.memory_space<vmem>> -> memref<128xi32, #tpu.memory_space<vmem>>
      %dma_start3A_82 = arith.constant 0 : i32
      %dma_start3A_83 = arith.constant 0 : i32
      %dma_start3A_84 = tpu.memref_slice %arg3[%dma_start3A_82, %dma_start3A_83] : memref<2048x64xf32, #tpu.memory_space<hbm>> -> memref<2048x64xf32, #tpu.memory_space<hbm>>
      tpu.enqueue_indirect_dma source(%dma_start3A_84 : memref<2048x64xf32, #tpu.memory_space<hbm>>) target(%arg15 : memref<128x64xf32, #tpu.memory_space<vmem>>) offsets(%dma_start3A_81 : memref<128xi32, #tpu.memory_space<vmem>>) semaphore(%arg22 : memref<!tpu.dma_semaphore, #tpu.memory_space<semaphore_mem>>)
      %mul3A_85 = arith.constant 128 : i32
      %mul3A_86 = arith.muli %mul3A_68, %mul3A_85 : i32
      %add3A_87 = arith.constant 0 : i32
      %add3A_88 = arith.addi %mul3A_86, %add3A_87 : i32
      %add3A_89 = vector.broadcast %add3A_88 : i32 to vector<16xi32>
      %add3A_90 = arith.addi %add3A_89, %iota3A : vector<16xi32>
      %div3A = arith.divsi %add3A_90, %broadcast_in_dim3A_3 : vector<16xi32>
      %add3A_91 = vector.broadcast %mul3A_0 : i32 to vector<16xi32>
      %add3A_92 = arith.addi %add3A_91, %div3A : vector<16xi32>
      %swap3A = arith.constant 0 : index
      %swap3A_93 = tpu.vector_load %arg10[%swap3A] {strides = array<i32>} : memref<128xi32, #tpu.memory_space<vmem>>, vector<16xi32>,
      %swap3A_94 = vector.shape_cast %swap3A_93 : vector<16xi32> to vector<16xi32>
      %swap3A_95 = vector.shape_cast %add3A_92 : vector<16xi32> to vector<16xi32>
      tpu.vector_store %arg10[%swap3A], %swap3A_95 {strides = array<i32>} : memref<128xi32, #tpu.memory_space<vmem>>, vector<16xi32>,
      %add3A_96 = arith.constant 16 : i32
      %add3A_97 = arith.addi %mul3A_86, %add3A_96 : i32
      %add3A_98 = vector.broadcast %add3A_97 : i32 to vector<16xi32>
      %add3A_99 = arith.addi %add3A_98, %iota3A : vector<16xi32>
      %div3A_100 = arith.divsi %add3A_99, %broadcast_in_dim3A_3 : vector<16xi32>
      %add3A_101 = vector.broadcast %mul3A_0 : i32 to vector<16xi32>
      %add3A_102 = arith.addi %add3A_101, %div3A_100 : vector<16xi32>
      %swap3A_103 = arith.constant 16 : index
      %swap3A_104 = tpu.vector_load %arg10[%swap3A_103] {strides = array<i32>} : memref<128xi32, #tpu.memory_space<vmem>>, vector<16xi32>,
      %swap3A_105 = vector.shape_cast %swap3A_104 : vector<16xi32> to vector<16xi32>
      %swap3A_106 = vector.shape_cast %add3A_102 : vector<16xi32> to vector<16xi32>
      tpu.vector_store %arg10[%swap3A_103], %swap3A_106 {strides = array<i32>} : memref<128xi32, #tpu.memory_space<vmem>>, vector<16xi32>,
      %add3A_107 = arith.constant 32 : i32
      %add3A_108 = arith.addi %mul3A_86, %add3A_107 : i32
      %add3A_109 = vector.broadcast %add3A_108 : i32 to vector<16xi32>
      %add3A_110 = arith.addi %add3A_109, %iota3A : vector<16xi32>
      %div3A_111 = arith.divsi %add3A_110, %broadcast_in_dim3A_3 : vector<16xi32>
      %add3A_112 = vector.broadcast %mul3A_0 : i32 to vector<16xi32>
      %add3A_113 = arith.addi %add3A_112, %div3A_111 : vector<16xi32>
      %swap3A_114 = arith.constant 32 : index
      %swap3A_115 = tpu.vector_load %arg10[%swap3A_114] {strides = array<i32>} : memref<128xi32, #tpu.memory_space<vmem>>, vector<16xi32>,
      %swap3A_116 = vector.shape_cast %swap3A_115 : vector<16xi32> to vector<16xi32>
      %swap3A_117 = vector.shape_cast %add3A_113 : vector<16xi32> to vector<16xi32>
      tpu.vector_store %arg10[%swap3A_114], %swap3A_117 {strides = array<i32>} : memref<128xi32, #tpu.memory_space<vmem>>, vector<16xi32>,
      %add3A_118 = arith.constant 48 : i32
      %add3A_119 = arith.addi %mul3A_86, %add3A_118 : i32
      %add3A_120 = vector.broadcast %add3A_119 : i32 to vector<16xi32>
      %add3A_121 = arith.addi %add3A_120, %iota3A : vector<16xi32>
      %div3A_122 = arith.divsi %add3A_121, %broadcast_in_dim3A_3 : vector<16xi32>
      %add3A_123 = vector.broadcast %mul3A_0 : i32 to vector<16xi32>
      %add3A_124 = arith.addi %add3A_123, %div3A_122 : vector<16xi32>
      %swap3A_125 = arith.constant 48 : index
      %swap3A_126 = tpu.vector_load %arg10[%swap3A_125] {strides = array<i32>} : memref<128xi32, #tpu.memory_space<vmem>>, vector<16xi32>,
      %swap3A_127 = vector.shape_cast %swap3A_126 : vector<16xi32> to vector<16xi32>
      %swap3A_128 = vector.shape_cast %add3A_124 : vector<16xi32> to vector<16xi32>
      tpu.vector_store %arg10[%swap3A_125], %swap3A_128 {strides = array<i32>} : memref<128xi32, #tpu.memory_space<vmem>>, vector<16xi32>,
      %add3A_129 = arith.constant 64 : i32
      %add3A_130 = arith.addi %mul3A_86, %add3A_129 : i32
      %add3A_131 = vector.broadcast %add3A_130 : i32 to vector<16xi32>
      %add3A_132 = arith.addi %add3A_131, %iota3A : vector<16xi32>
      %div3A_133 = arith.divsi %add3A_132, %broadcast_in_dim3A_3 : vector<16xi32>
      %add3A_134 = vector.broadcast %mul3A_0 : i32 to vector<16xi32>
      %add3A_135 = arith.addi %add3A_134, %div3A_133 : vector<16xi32>
      %swap3A_136 = arith.constant 64 : index
      %swap3A_137 = tpu.vector_load %arg10[%swap3A_136] {strides = array<i32>} : memref<128xi32, #tpu.memory_space<vmem>>, vector<16xi32>,
      %swap3A_138 = vector.shape_cast %swap3A_137 : vector<16xi32> to vector<16xi32>
      %swap3A_139 = vector.shape_cast %add3A_135 : vector<16xi32> to vector<16xi32>
      tpu.vector_store %arg10[%swap3A_136], %swap3A_139 {strides = array<i32>} : memref<128xi32, #tpu.memory_space<vmem>>, vector<16xi32>,
      %add3A_140 = arith.constant 80 : i32
      %add3A_141 = arith.addi %mul3A_86, %add3A_140 : i32
      %add3A_142 = vector.broadcast %add3A_141 : i32 to vector<16xi32>
      %add3A_143 = arith.addi %add3A_142, %iota3A : vector<16xi32>
      %div3A_144 = arith.divsi %add3A_143, %broadcast_in_dim3A_3 : vector<16xi32>
      %add3A_145 = vector.broadcast %mul3A_0 : i32 to vector<16xi32>
      %add3A_146 = arith.addi %add3A_145, %div3A_144 : vector<16xi32>
      %swap3A_147 = arith.constant 80 : index
      %swap3A_148 = tpu.vector_load %arg10[%swap3A_147] {strides = array<i32>} : memref<128xi32, #tpu.memory_space<vmem>>, vector<16xi32>,
      %swap3A_149 = vector.shape_cast %swap3A_148 : vector<16xi32> to vector<16xi32>
      %swap3A_150 = vector.shape_cast %add3A_146 : vector<16xi32> to vector<16xi32>
      tpu.vector_store %arg10[%swap3A_147], %swap3A_150 {strides = array<i32>} : memref<128xi32, #tpu.memory_space<vmem>>, vector<16xi32>,
      %add3A_151 = arith.constant 96 : i32
      %add3A_152 = arith.addi %mul3A_86, %add3A_151 : i32
      %add3A_153 = vector.broadcast %add3A_152 : i32 to vector<16xi32>
      %add3A_154 = arith.addi %add3A_153, %iota3A : vector<16xi32>
      %div3A_155 = arith.divsi %add3A_154, %broadcast_in_dim3A_3 : vector<16xi32>
      %add3A_156 = vector.broadcast %mul3A_0 : i32 to vector<16xi32>
      %add3A_157 = arith.addi %add3A_156, %div3A_155 : vector<16xi32>
      %swap3A_158 = arith.constant 96 : index
      %swap3A_159 = tpu.vector_load %arg10[%swap3A_158] {strides = array<i32>} : memref<128xi32, #tpu.memory_space<vmem>>, vector<16xi32>,
      %swap3A_160 = vector.shape_cast %swap3A_159 : vector<16xi32> to vector<16xi32>
      %swap3A_161 = vector.shape_cast %add3A_157 : vector<16xi32> to vector<16xi32>
      tpu.vector_store %arg10[%swap3A_158], %swap3A_161 {strides = array<i32>} : memref<128xi32, #tpu.memory_space<vmem>>, vector<16xi32>,
      %add3A_162 = arith.constant 112 : i32
      %add3A_163 = arith.addi %mul3A_86, %add3A_162 : i32
      %add3A_164 = vector.broadcast %add3A_163 : i32 to vector<16xi32>
      %add3A_165 = arith.addi %add3A_164, %iota3A : vector<16xi32>
      %div3A_166 = arith.divsi %add3A_165, %broadcast_in_dim3A_3 : vector<16xi32>
      %add3A_167 = vector.broadcast %mul3A_0 : i32 to vector<16xi32>
      %add3A_168 = arith.addi %add3A_167, %div3A_166 : vector<16xi32>
      %swap3A_169 = arith.constant 112 : index
      %swap3A_170 = tpu.vector_load %arg10[%swap3A_169] {strides = array<i32>} : memref<128xi32, #tpu.memory_space<vmem>>, vector<16xi32>,
      %swap3A_171 = vector.shape_cast %swap3A_170 : vector<16xi32> to vector<16xi32>
      %swap3A_172 = vector.shape_cast %add3A_168 : vector<16xi32> to vector<16xi32>
      tpu.vector_store %arg10[%swap3A_169], %swap3A_172 {strides = array<i32>} : memref<128xi32, #tpu.memory_space<vmem>>, vector<16xi32>,
      %dma_wait3A = arith.constant 0 : i32
      %dma_wait3A_173 = arith.constant 0 : i32
      %dma_wait3A_174 = tpu.memref_slice %arg2[%dma_wait3A, %dma_wait3A_173] : memref<4096x64xf32, #tpu.memory_space<hbm>> -> memref<128x64xf32, #tpu.memory_space<hbm>>
      %dma_wait3A_175 = arith.constant 0 : i32
      %dma_wait3A_176 = arith.constant 0 : i32
      %dma_wait3A_177 = tpu.memref_slice %arg2[%dma_wait3A_175, %dma_wait3A_176] : memref<4096x64xf32, #tpu.memory_space<hbm>> -> memref<128x64xf32, #tpu.memory_space<hbm>>
      tpu.wait_dma2 semaphore(%arg19 : memref<!tpu.dma_semaphore, #tpu.memory_space<semaphore_mem>>) src(%dma_wait3A_177 : memref<128x64xf32, #tpu.memory_space<hbm>>) dst(%arg12 : memref<128x64xf32, #tpu.memory_space<vmem>>)
      "tpu.region"() ({
        %run_scoped3A = tpu.sem_alloc : memref<!tpu.dma_semaphore, #tpu.memory_space<semaphore_mem>>
        %dma_start3A_288 = arith.constant 0 : i32
        %dma_start3A_289 = arith.constant 0 : i32
        %dma_start3A_290 = tpu.memref_slice %arg17[%dma_start3A_288, %dma_start3A_289] : memref<4096x64xf32, #tpu.memory_space<vmem_shared>> -> memref<4096x64xf32, #tpu.memory_space<vmem_shared>>
        tpu.enqueue_indirect_dma source(%arg12 : memref<128x64xf32, #tpu.memory_space<vmem>>) target(%dma_start3A_290 : memref<4096x64xf32, #tpu.memory_space<vmem_shared>>) offsets(%arg10 : memref<128xi32, #tpu.memory_space<vmem>>) semaphore(%run_scoped3A : memref<!tpu.dma_semaphore, #tpu.memory_space<semaphore_mem>>) {add = true}
        %dma_wait3A_291 = arith.constant 0 : i32
        %dma_wait3A_292 = arith.constant 0 : i32
        %dma_wait3A_293 = tpu.memref_slice %arg17[%dma_wait3A_291, %dma_wait3A_292] : memref<4096x64xf32, #tpu.memory_space<vmem_shared>> -> memref<4096x64xf32, #tpu.memory_space<vmem_shared>>
        tpu.wait_indirect_dma semaphore(%run_scoped3A : memref<!tpu.dma_semaphore, #tpu.memory_space<semaphore_mem>>) src(%arg12 : memref<128x64xf32, #tpu.memory_space<vmem>>) dst(%dma_wait3A_293 : memref<4096x64xf32, #tpu.memory_space<vmem_shared>>)
        tpu.yield
      }) : () -> ()
      %dma_wait3A_178 = arith.constant 0 : i32
      %dma_wait3A_179 = arith.constant 0 : i32
      %dma_wait3A_180 = tpu.memref_slice %arg2[%dma_wait3A_178, %dma_wait3A_179] : memref<4096x64xf32, #tpu.memory_space<hbm>> -> memref<128x64xf32, #tpu.memory_space<hbm>>
      %dma_wait3A_181 = arith.constant 0 : i32
      %dma_wait3A_182 = arith.constant 0 : i32
      %dma_wait3A_183 = tpu.memref_slice %arg2[%dma_wait3A_181, %dma_wait3A_182] : memref<4096x64xf32, #tpu.memory_space<hbm>> -> memref<128x64xf32, #tpu.memory_space<hbm>>
      tpu.wait_dma2 semaphore(%arg21 : memref<!tpu.dma_semaphore, #tpu.memory_space<semaphore_mem>>) src(%dma_wait3A_183 : memref<128x64xf32, #tpu.memory_space<hbm>>) dst(%arg14 : memref<128x64xf32, #tpu.memory_space<vmem>>)
      "tpu.region"() ({
        %run_scoped3A = tpu.sem_alloc : memref<!tpu.dma_semaphore, #tpu.memory_space<semaphore_mem>>
        %dma_start3A_288 = arith.constant 0 : i32
        %dma_start3A_289 = arith.constant 0 : i32
        %dma_start3A_290 = tpu.memref_slice %arg18[%dma_start3A_288, %dma_start3A_289] : memref<4096x64xf32, #tpu.memory_space<vmem_shared>> -> memref<4096x64xf32, #tpu.memory_space<vmem_shared>>
        tpu.enqueue_indirect_dma source(%arg14 : memref<128x64xf32, #tpu.memory_space<vmem>>) target(%dma_start3A_290 : memref<4096x64xf32, #tpu.memory_space<vmem_shared>>) offsets(%arg10 : memref<128xi32, #tpu.memory_space<vmem>>) semaphore(%run_scoped3A : memref<!tpu.dma_semaphore, #tpu.memory_space<semaphore_mem>>) {add = true}
        %dma_wait3A_291 = arith.constant 0 : i32
        %dma_wait3A_292 = arith.constant 0 : i32
        %dma_wait3A_293 = tpu.memref_slice %arg18[%dma_wait3A_291, %dma_wait3A_292] : memref<4096x64xf32, #tpu.memory_space<vmem_shared>> -> memref<4096x64xf32, #tpu.memory_space<vmem_shared>>
        tpu.wait_indirect_dma semaphore(%run_scoped3A : memref<!tpu.dma_semaphore, #tpu.memory_space<semaphore_mem>>) src(%arg14 : memref<128x64xf32, #tpu.memory_space<vmem>>) dst(%dma_wait3A_293 : memref<4096x64xf32, #tpu.memory_space<vmem_shared>>)
        tpu.yield
      }) : () -> ()
      %lt3A = arith.constant 49 : i32
      %lt3A_184 = arith.cmpi slt, %scan3A_66, %lt3A : i32
      %convert_element_type3A = arith.extui %lt3A_184 : i1 to i32
      %cond3A = arith.constant 0 : i32
      %cond3A_185 = arith.cmpi ne, %convert_element_type3A, %cond3A : i32
      scf.if %cond3A_185 {
        %add3A_288 = arith.constant 1 : i32
        %add3A_289 = arith.addi %add3A_70, %add3A_288 : i32
        %mul3A_290 = arith.constant 128 : i32
        %mul3A_291 = arith.muli %add3A_289, %mul3A_290 : i32
        %multiple_of3A_292 = tpu.assume_multiple %mul3A_291, 128 : i32
        %dma_start3A_293 = tpu.memref_slice %arg8[%multiple_of3A_292] : memref<12800xi32, #tpu.memory_space<vmem>> -> memref<128xi32, #tpu.memory_space<vmem>>
        %dma_start3A_294 = arith.constant 0 : i32
        %dma_start3A_295 = arith.constant 0 : i32
        %dma_start3A_296 = tpu.memref_slice %arg2[%dma_start3A_294, %dma_start3A_295] : memref<4096x64xf32, #tpu.memory_space<hbm>> -> memref<4096x64xf32, #tpu.memory_space<hbm>>
        tpu.enqueue_indirect_dma source(%dma_start3A_296 : memref<4096x64xf32, #tpu.memory_space<hbm>>) target(%arg12 : memref<128x64xf32, #tpu.memory_space<vmem>>) offsets(%dma_start3A_293 : memref<128xi32, #tpu.memory_space<vmem>>) semaphore(%arg19 : memref<!tpu.dma_semaphore, #tpu.memory_space<semaphore_mem>>)
        %add3A_297 = arith.constant 1 : i32
        %add3A_298 = arith.addi %add3A_70, %add3A_297 : i32
        %mul3A_299 = arith.constant 128 : i32
        %mul3A_300 = arith.muli %add3A_298, %mul3A_299 : i32
        %multiple_of3A_301 = tpu.assume_multiple %mul3A_300, 128 : i32
        %dma_start3A_302 = tpu.memref_slice %arg9[%multiple_of3A_301] : memref<12800xi32, #tpu.memory_space<vmem>> -> memref<128xi32, #tpu.memory_space<vmem>>
        %dma_start3A_303 = arith.constant 0 : i32
        %dma_start3A_304 = arith.constant 0 : i32
        %dma_start3A_305 = tpu.memref_slice %arg3[%dma_start3A_303, %dma_start3A_304] : memref<2048x64xf32, #tpu.memory_space<hbm>> -> memref<2048x64xf32, #tpu.memory_space<hbm>>
        tpu.enqueue_indirect_dma source(%dma_start3A_305 : memref<2048x64xf32, #tpu.memory_space<hbm>>) target(%arg14 : memref<128x64xf32, #tpu.memory_space<vmem>>) offsets(%dma_start3A_302 : memref<128xi32, #tpu.memory_space<vmem>>) semaphore(%arg21 : memref<!tpu.dma_semaphore, #tpu.memory_space<semaphore_mem>>)
      } else {
      }
      %mul3A_186 = arith.constant 128 : i32
      %mul3A_187 = arith.muli %add3A_70, %mul3A_186 : i32
      %add3A_188 = arith.constant 0 : i32
      %add3A_189 = arith.addi %mul3A_187, %add3A_188 : i32
      %add3A_190 = vector.broadcast %add3A_189 : i32 to vector<16xi32>
      %add3A_191 = arith.addi %add3A_190, %iota3A : vector<16xi32>
      %div3A_192 = arith.divsi %add3A_191, %broadcast_in_dim3A_3 : vector<16xi32>
      %add3A_193 = vector.broadcast %mul3A_0 : i32 to vector<16xi32>
      %add3A_194 = arith.addi %add3A_193, %div3A_192 : vector<16xi32>
      %swap3A_195 = arith.constant 0 : index
      %swap3A_196 = tpu.vector_load %arg11[%swap3A_195] {strides = array<i32>} : memref<128xi32, #tpu.memory_space<vmem>>, vector<16xi32>,
      %swap3A_197 = vector.shape_cast %swap3A_196 : vector<16xi32> to vector<16xi32>
      %swap3A_198 = vector.shape_cast %add3A_194 : vector<16xi32> to vector<16xi32>
      tpu.vector_store %arg11[%swap3A_195], %swap3A_198 {strides = array<i32>} : memref<128xi32, #tpu.memory_space<vmem>>, vector<16xi32>,
      %add3A_199 = arith.constant 16 : i32
      %add3A_200 = arith.addi %mul3A_187, %add3A_199 : i32
      %add3A_201 = vector.broadcast %add3A_200 : i32 to vector<16xi32>
      %add3A_202 = arith.addi %add3A_201, %iota3A : vector<16xi32>
      %div3A_203 = arith.divsi %add3A_202, %broadcast_in_dim3A_3 : vector<16xi32>
      %add3A_204 = vector.broadcast %mul3A_0 : i32 to vector<16xi32>
      %add3A_205 = arith.addi %add3A_204, %div3A_203 : vector<16xi32>
      %swap3A_206 = arith.constant 16 : index
      %swap3A_207 = tpu.vector_load %arg11[%swap3A_206] {strides = array<i32>} : memref<128xi32, #tpu.memory_space<vmem>>, vector<16xi32>,
      %swap3A_208 = vector.shape_cast %swap3A_207 : vector<16xi32> to vector<16xi32>
      %swap3A_209 = vector.shape_cast %add3A_205 : vector<16xi32> to vector<16xi32>
      tpu.vector_store %arg11[%swap3A_206], %swap3A_209 {strides = array<i32>} : memref<128xi32, #tpu.memory_space<vmem>>, vector<16xi32>,
      %add3A_210 = arith.constant 32 : i32
      %add3A_211 = arith.addi %mul3A_187, %add3A_210 : i32
      %add3A_212 = vector.broadcast %add3A_211 : i32 to vector<16xi32>
      %add3A_213 = arith.addi %add3A_212, %iota3A : vector<16xi32>
      %div3A_214 = arith.divsi %add3A_213, %broadcast_in_dim3A_3 : vector<16xi32>
      %add3A_215 = vector.broadcast %mul3A_0 : i32 to vector<16xi32>
      %add3A_216 = arith.addi %add3A_215, %div3A_214 : vector<16xi32>
      %swap3A_217 = arith.constant 32 : index
      %swap3A_218 = tpu.vector_load %arg11[%swap3A_217] {strides = array<i32>} : memref<128xi32, #tpu.memory_space<vmem>>, vector<16xi32>,
      %swap3A_219 = vector.shape_cast %swap3A_218 : vector<16xi32> to vector<16xi32>
      %swap3A_220 = vector.shape_cast %add3A_216 : vector<16xi32> to vector<16xi32>
      tpu.vector_store %arg11[%swap3A_217], %swap3A_220 {strides = array<i32>} : memref<128xi32, #tpu.memory_space<vmem>>, vector<16xi32>,
      %add3A_221 = arith.constant 48 : i32
      %add3A_222 = arith.addi %mul3A_187, %add3A_221 : i32
      %add3A_223 = vector.broadcast %add3A_222 : i32 to vector<16xi32>
      %add3A_224 = arith.addi %add3A_223, %iota3A : vector<16xi32>
      %div3A_225 = arith.divsi %add3A_224, %broadcast_in_dim3A_3 : vector<16xi32>
      %add3A_226 = vector.broadcast %mul3A_0 : i32 to vector<16xi32>
      %add3A_227 = arith.addi %add3A_226, %div3A_225 : vector<16xi32>
      %swap3A_228 = arith.constant 48 : index
      %swap3A_229 = tpu.vector_load %arg11[%swap3A_228] {strides = array<i32>} : memref<128xi32, #tpu.memory_space<vmem>>, vector<16xi32>,
      %swap3A_230 = vector.shape_cast %swap3A_229 : vector<16xi32> to vector<16xi32>
      %swap3A_231 = vector.shape_cast %add3A_227 : vector<16xi32> to vector<16xi32>
      tpu.vector_store %arg11[%swap3A_228], %swap3A_231 {strides = array<i32>} : memref<128xi32, #tpu.memory_space<vmem>>, vector<16xi32>,
      %add3A_232 = arith.constant 64 : i32
      %add3A_233 = arith.addi %mul3A_187, %add3A_232 : i32
      %add3A_234 = vector.broadcast %add3A_233 : i32 to vector<16xi32>
      %add3A_235 = arith.addi %add3A_234, %iota3A : vector<16xi32>
      %div3A_236 = arith.divsi %add3A_235, %broadcast_in_dim3A_3 : vector<16xi32>
      %add3A_237 = vector.broadcast %mul3A_0 : i32 to vector<16xi32>
      %add3A_238 = arith.addi %add3A_237, %div3A_236 : vector<16xi32>
      %swap3A_239 = arith.constant 64 : index
      %swap3A_240 = tpu.vector_load %arg11[%swap3A_239] {strides = array<i32>} : memref<128xi32, #tpu.memory_space<vmem>>, vector<16xi32>,
      %swap3A_241 = vector.shape_cast %swap3A_240 : vector<16xi32> to vector<16xi32>
      %swap3A_242 = vector.shape_cast %add3A_238 : vector<16xi32> to vector<16xi32>
      tpu.vector_store %arg11[%swap3A_239], %swap3A_242 {strides = array<i32>} : memref<128xi32, #tpu.memory_space<vmem>>, vector<16xi32>,
      %add3A_243 = arith.constant 80 : i32
      %add3A_244 = arith.addi %mul3A_187, %add3A_243 : i32
      %add3A_245 = vector.broadcast %add3A_244 : i32 to vector<16xi32>
      %add3A_246 = arith.addi %add3A_245, %iota3A : vector<16xi32>
      %div3A_247 = arith.divsi %add3A_246, %broadcast_in_dim3A_3 : vector<16xi32>
      %add3A_248 = vector.broadcast %mul3A_0 : i32 to vector<16xi32>
      %add3A_249 = arith.addi %add3A_248, %div3A_247 : vector<16xi32>
      %swap3A_250 = arith.constant 80 : index
      %swap3A_251 = tpu.vector_load %arg11[%swap3A_250] {strides = array<i32>} : memref<128xi32, #tpu.memory_space<vmem>>, vector<16xi32>,
      %swap3A_252 = vector.shape_cast %swap3A_251 : vector<16xi32> to vector<16xi32>
      %swap3A_253 = vector.shape_cast %add3A_249 : vector<16xi32> to vector<16xi32>
      tpu.vector_store %arg11[%swap3A_250], %swap3A_253 {strides = array<i32>} : memref<128xi32, #tpu.memory_space<vmem>>, vector<16xi32>,
      %add3A_254 = arith.constant 96 : i32
      %add3A_255 = arith.addi %mul3A_187, %add3A_254 : i32
      %add3A_256 = vector.broadcast %add3A_255 : i32 to vector<16xi32>
      %add3A_257 = arith.addi %add3A_256, %iota3A : vector<16xi32>
      %div3A_258 = arith.divsi %add3A_257, %broadcast_in_dim3A_3 : vector<16xi32>
      %add3A_259 = vector.broadcast %mul3A_0 : i32 to vector<16xi32>
      %add3A_260 = arith.addi %add3A_259, %div3A_258 : vector<16xi32>
      %swap3A_261 = arith.constant 96 : index
      %swap3A_262 = tpu.vector_load %arg11[%swap3A_261] {strides = array<i32>} : memref<128xi32, #tpu.memory_space<vmem>>, vector<16xi32>,
      %swap3A_263 = vector.shape_cast %swap3A_262 : vector<16xi32> to vector<16xi32>
      %swap3A_264 = vector.shape_cast %add3A_260 : vector<16xi32> to vector<16xi32>
      tpu.vector_store %arg11[%swap3A_261], %swap3A_264 {strides = array<i32>} : memref<128xi32, #tpu.memory_space<vmem>>, vector<16xi32>,
      %add3A_265 = arith.constant 112 : i32
      %add3A_266 = arith.addi %mul3A_187, %add3A_265 : i32
      %add3A_267 = vector.broadcast %add3A_266 : i32 to vector<16xi32>
      %add3A_268 = arith.addi %add3A_267, %iota3A : vector<16xi32>
      %div3A_269 = arith.divsi %add3A_268, %broadcast_in_dim3A_3 : vector<16xi32>
      %add3A_270 = vector.broadcast %mul3A_0 : i32 to vector<16xi32>
      %add3A_271 = arith.addi %add3A_270, %div3A_269 : vector<16xi32>
      %swap3A_272 = arith.constant 112 : index
      %swap3A_273 = tpu.vector_load %arg11[%swap3A_272] {strides = array<i32>} : memref<128xi32, #tpu.memory_space<vmem>>, vector<16xi32>,
      %swap3A_274 = vector.shape_cast %swap3A_273 : vector<16xi32> to vector<16xi32>
      %swap3A_275 = vector.shape_cast %add3A_271 : vector<16xi32> to vector<16xi32>
      tpu.vector_store %arg11[%swap3A_272], %swap3A_275 {strides = array<i32>} : memref<128xi32, #tpu.memory_space<vmem>>, vector<16xi32>,
      %dma_wait3A_276 = arith.constant 0 : i32
      %dma_wait3A_277 = arith.constant 0 : i32
      %dma_wait3A_278 = tpu.memref_slice %arg2[%dma_wait3A_276, %dma_wait3A_277] : memref<4096x64xf32, #tpu.memory_space<hbm>> -> memref<128x64xf32, #tpu.memory_space<hbm>>
      %dma_wait3A_279 = arith.constant 0 : i32
      %dma_wait3A_280 = arith.constant 0 : i32
      %dma_wait3A_281 = tpu.memref_slice %arg2[%dma_wait3A_279, %dma_wait3A_280] : memref<4096x64xf32, #tpu.memory_space<hbm>> -> memref<128x64xf32, #tpu.memory_space<hbm>>
      tpu.wait_dma2 semaphore(%arg20 : memref<!tpu.dma_semaphore, #tpu.memory_space<semaphore_mem>>) src(%dma_wait3A_281 : memref<128x64xf32, #tpu.memory_space<hbm>>) dst(%arg13 : memref<128x64xf32, #tpu.memory_space<vmem>>)
      "tpu.region"() ({
        %run_scoped3A = tpu.sem_alloc : memref<!tpu.dma_semaphore, #tpu.memory_space<semaphore_mem>>
        %dma_start3A_288 = arith.constant 0 : i32
        %dma_start3A_289 = arith.constant 0 : i32
        %dma_start3A_290 = tpu.memref_slice %arg17[%dma_start3A_288, %dma_start3A_289] : memref<4096x64xf32, #tpu.memory_space<vmem_shared>> -> memref<4096x64xf32, #tpu.memory_space<vmem_shared>>
        tpu.enqueue_indirect_dma source(%arg13 : memref<128x64xf32, #tpu.memory_space<vmem>>) target(%dma_start3A_290 : memref<4096x64xf32, #tpu.memory_space<vmem_shared>>) offsets(%arg11 : memref<128xi32, #tpu.memory_space<vmem>>) semaphore(%run_scoped3A : memref<!tpu.dma_semaphore, #tpu.memory_space<semaphore_mem>>) {add = true}
        %dma_wait3A_291 = arith.constant 0 : i32
        %dma_wait3A_292 = arith.constant 0 : i32
        %dma_wait3A_293 = tpu.memref_slice %arg17[%dma_wait3A_291, %dma_wait3A_292] : memref<4096x64xf32, #tpu.memory_space<vmem_shared>> -> memref<4096x64xf32, #tpu.memory_space<vmem_shared>>
        tpu.wait_indirect_dma semaphore(%run_scoped3A : memref<!tpu.dma_semaphore, #tpu.memory_space<semaphore_mem>>) src(%arg13 : memref<128x64xf32, #tpu.memory_space<vmem>>) dst(%dma_wait3A_293 : memref<4096x64xf32, #tpu.memory_space<vmem_shared>>)
        tpu.yield
      }) : () -> ()
      %dma_wait3A_282 = arith.constant 0 : i32
      %dma_wait3A_283 = arith.constant 0 : i32
      %dma_wait3A_284 = tpu.memref_slice %arg2[%dma_wait3A_282, %dma_wait3A_283] : memref<4096x64xf32, #tpu.memory_space<hbm>> -> memref<128x64xf32, #tpu.memory_space<hbm>>
      %dma_wait3A_285 = arith.constant 0 : i32
      %dma_wait3A_286 = arith.constant 0 : i32
      %dma_wait3A_287 = tpu.memref_slice %arg2[%dma_wait3A_285, %dma_wait3A_286] : memref<4096x64xf32, #tpu.memory_space<hbm>> -> memref<128x64xf32, #tpu.memory_space<hbm>>
      tpu.wait_dma2 semaphore(%arg22 : memref<!tpu.dma_semaphore, #tpu.memory_space<semaphore_mem>>) src(%dma_wait3A_287 : memref<128x64xf32, #tpu.memory_space<hbm>>) dst(%arg15 : memref<128x64xf32, #tpu.memory_space<vmem>>)
      "tpu.region"() ({
        %run_scoped3A = tpu.sem_alloc : memref<!tpu.dma_semaphore, #tpu.memory_space<semaphore_mem>>
        %dma_start3A_288 = arith.constant 0 : i32
        %dma_start3A_289 = arith.constant 0 : i32
        %dma_start3A_290 = tpu.memref_slice %arg18[%dma_start3A_288, %dma_start3A_289] : memref<4096x64xf32, #tpu.memory_space<vmem_shared>> -> memref<4096x64xf32, #tpu.memory_space<vmem_shared>>
        tpu.enqueue_indirect_dma source(%arg15 : memref<128x64xf32, #tpu.memory_space<vmem>>) target(%dma_start3A_290 : memref<4096x64xf32, #tpu.memory_space<vmem_shared>>) offsets(%arg11 : memref<128xi32, #tpu.memory_space<vmem>>) semaphore(%run_scoped3A : memref<!tpu.dma_semaphore, #tpu.memory_space<semaphore_mem>>) {add = true}
        %dma_wait3A_291 = arith.constant 0 : i32
        %dma_wait3A_292 = arith.constant 0 : i32
        %dma_wait3A_293 = tpu.memref_slice %arg18[%dma_wait3A_291, %dma_wait3A_292] : memref<4096x64xf32, #tpu.memory_space<vmem_shared>> -> memref<4096x64xf32, #tpu.memory_space<vmem_shared>>
        tpu.wait_indirect_dma semaphore(%run_scoped3A : memref<!tpu.dma_semaphore, #tpu.memory_space<semaphore_mem>>) src(%arg15 : memref<128x64xf32, #tpu.memory_space<vmem>>) dst(%dma_wait3A_293 : memref<4096x64xf32, #tpu.memory_space<vmem_shared>>)
        tpu.yield
      }) : () -> ()
    }
    %scan3A_32 = arith.constant 50 : i32
    "tpu.region"() ({
      %run_scoped3A = tpu.sem_alloc : memref<!tpu.dma_semaphore, #tpu.memory_space<semaphore_mem>>
      %dma_start3A_66 = arith.constant 0 : i32
      %dma_start3A_67 = tpu.memref_slice %arg17[%mul3A_0, %dma_start3A_66] : memref<4096x64xf32, #tpu.memory_space<vmem_shared>> -> memref<256x64xf32, #tpu.memory_space<vmem_shared>>
      %dma_start3A_68 = arith.constant 0 : i32
      %dma_start3A_69 = tpu.memref_slice %arg17[%mul3A_0, %dma_start3A_68] : memref<4096x64xf32, #tpu.memory_space<vmem_shared>> -> memref<256x64xf32, #tpu.memory_space<vmem_shared>>
      tpu.enqueue_dma source(%dma_start3A_69 : memref<256x64xf32, #tpu.memory_space<vmem_shared>>) target(%arg16 : memref<256x64xf32, #tpu.memory_space<vmem>>) target_semaphore(%run_scoped3A : memref<!tpu.dma_semaphore, #tpu.memory_space<semaphore_mem>>)
      %dma_wait3A = arith.constant 0 : i32
      %dma_wait3A_70 = tpu.memref_slice %arg17[%mul3A_0, %dma_wait3A] : memref<4096x64xf32, #tpu.memory_space<vmem_shared>> -> memref<256x64xf32, #tpu.memory_space<vmem_shared>>
      %dma_wait3A_71 = arith.constant 0 : i32
      %dma_wait3A_72 = tpu.memref_slice %arg17[%mul3A_0, %dma_wait3A_71] : memref<4096x64xf32, #tpu.memory_space<vmem_shared>> -> memref<256x64xf32, #tpu.memory_space<vmem_shared>>
      tpu.wait_dma2 semaphore(%run_scoped3A : memref<!tpu.dma_semaphore, #tpu.memory_space<semaphore_mem>>) src(%dma_wait3A_72 : memref<256x64xf32, #tpu.memory_space<vmem_shared>>) dst(%arg16 : memref<256x64xf32, #tpu.memory_space<vmem>>)
      tpu.yield
    }) : () -> ()
    "tpu.region"() ({
      %run_scoped3A = tpu.sem_alloc : memref<!tpu.dma_semaphore, #tpu.memory_space<semaphore_mem>>
      %dma_start3A_66 = arith.constant 0 : i32
      %dma_start3A_67 = tpu.memref_slice %arg6[%multiple_of3A, %dma_start3A_66] : memref<16384x64xf32, #tpu.memory_space<hbm>> -> memref<256x64xf32, #tpu.memory_space<hbm>>
      %dma_start3A_68 = arith.constant 0 : i32
      %dma_start3A_69 = tpu.memref_slice %arg6[%multiple_of3A, %dma_start3A_68] : memref<16384x64xf32, #tpu.memory_space<hbm>> -> memref<256x64xf32, #tpu.memory_space<hbm>>
      tpu.enqueue_dma source(%arg16 : memref<256x64xf32, #tpu.memory_space<vmem>>) target(%dma_start3A_69 : memref<256x64xf32, #tpu.memory_space<hbm>>) target_semaphore(%run_scoped3A : memref<!tpu.dma_semaphore, #tpu.memory_space<semaphore_mem>>)
      %dma_wait3A = arith.constant 0 : i32
      %dma_wait3A_70 = tpu.memref_slice %arg6[%multiple_of3A, %dma_wait3A] : memref<16384x64xf32, #tpu.memory_space<hbm>> -> memref<256x64xf32, #tpu.memory_space<hbm>>
      %dma_wait3A_71 = arith.constant 0 : i32
      %dma_wait3A_72 = tpu.memref_slice %arg6[%multiple_of3A, %dma_wait3A_71] : memref<16384x64xf32, #tpu.memory_space<hbm>> -> memref<256x64xf32, #tpu.memory_space<hbm>>
      tpu.wait_dma2 semaphore(%run_scoped3A : memref<!tpu.dma_semaphore, #tpu.memory_space<semaphore_mem>>) src(%arg16 : memref<256x64xf32, #tpu.memory_space<vmem>>) dst(%dma_wait3A_72 : memref<256x64xf32, #tpu.memory_space<hbm>>)
      tpu.yield
    }) : () -> ()
    "tpu.region"() ({
      %run_scoped3A = tpu.sem_alloc : memref<!tpu.dma_semaphore, #tpu.memory_space<semaphore_mem>>
      %dma_start3A_66 = arith.constant 0 : i32
      %dma_start3A_67 = tpu.memref_slice %arg18[%mul3A_0, %dma_start3A_66] : memref<4096x64xf32, #tpu.memory_space<vmem_shared>> -> memref<256x64xf32, #tpu.memory_space<vmem_shared>>
      %dma_start3A_68 = arith.constant 0 : i32
      %dma_start3A_69 = tpu.memref_slice %arg18[%mul3A_0, %dma_start3A_68] : memref<4096x64xf32, #tpu.memory_space<vmem_shared>> -> memref<256x64xf32, #tpu.memory_space<vmem_shared>>
      tpu.enqueue_dma source(%dma_start3A_69 : memref<256x64xf32, #tpu.memory_space<vmem_shared>>) target(%arg16 : memref<256x64xf32, #tpu.memory_space<vmem>>) target_semaphore(%run_scoped3A : memref<!tpu.dma_semaphore, #tpu.memory_space<semaphore_mem>>)
      %dma_wait3A = arith.constant 0 : i32
      %dma_wait3A_70 = tpu.memref_slice %arg18[%mul3A_0, %dma_wait3A] : memref<4096x64xf32, #tpu.memory_space<vmem_shared>> -> memref<256x64xf32, #tpu.memory_space<vmem_shared>>
      %dma_wait3A_71 = arith.constant 0 : i32
      %dma_wait3A_72 = tpu.memref_slice %arg18[%mul3A_0, %dma_wait3A_71] : memref<4096x64xf32, #tpu.memory_space<vmem_shared>> -> memref<256x64xf32, #tpu.memory_space<vmem_shared>>
      tpu.wait_dma2 semaphore(%run_scoped3A : memref<!tpu.dma_semaphore, #tpu.memory_space<semaphore_mem>>) src(%dma_wait3A_72 : memref<256x64xf32, #tpu.memory_space<vmem_shared>>) dst(%arg16 : memref<256x64xf32, #tpu.memory_space<vmem>>)
      tpu.yield
    }) : () -> ()
    "tpu.region"() ({
      %run_scoped3A = tpu.sem_alloc : memref<!tpu.dma_semaphore, #tpu.memory_space<semaphore_mem>>
      %dma_start3A_66 = arith.constant 0 : i32
      %dma_start3A_67 = tpu.memref_slice %arg7[%multiple_of3A, %dma_start3A_66] : memref<16384x64xf32, #tpu.memory_space<hbm>> -> memref<256x64xf32, #tpu.memory_space<hbm>>
      %dma_start3A_68 = arith.constant 0 : i32
      %dma_start3A_69 = tpu.memref_slice %arg7[%multiple_of3A, %dma_start3A_68] : memref<16384x64xf32, #tpu.memory_space<hbm>> -> memref<256x64xf32, #tpu.memory_space<hbm>>
      tpu.enqueue_dma source(%arg16 : memref<256x64xf32, #tpu.memory_space<vmem>>) target(%dma_start3A_69 : memref<256x64xf32, #tpu.memory_space<hbm>>) target_semaphore(%run_scoped3A : memref<!tpu.dma_semaphore, #tpu.memory_space<semaphore_mem>>)
      %dma_wait3A = arith.constant 0 : i32
      %dma_wait3A_70 = tpu.memref_slice %arg7[%multiple_of3A, %dma_wait3A] : memref<16384x64xf32, #tpu.memory_space<hbm>> -> memref<256x64xf32, #tpu.memory_space<hbm>>
      %dma_wait3A_71 = arith.constant 0 : i32
      %dma_wait3A_72 = tpu.memref_slice %arg7[%multiple_of3A, %dma_wait3A_71] : memref<16384x64xf32, #tpu.memory_space<hbm>> -> memref<256x64xf32, #tpu.memory_space<hbm>>
      tpu.wait_dma2 semaphore(%run_scoped3A : memref<!tpu.dma_semaphore, #tpu.memory_space<semaphore_mem>>) src(%arg16 : memref<256x64xf32, #tpu.memory_space<vmem>>) dst(%dma_wait3A_72 : memref<256x64xf32, #tpu.memory_space<hbm>>)
      tpu.yield
    }) : () -> ()
    %mul3A_33 = arith.constant 8192 : i32
    %mul3A_34 = arith.muli %arg0, %mul3A_33 : i32
    %add3A_35 = arith.constant 4096 : i32
    %add3A_36 = arith.addi %mul3A_34, %add3A_35 : i32
    %mul3A_37 = arith.constant 256 : i32
    %mul3A_38 = arith.muli %arg1, %mul3A_37 : i32
    %add3A_39 = arith.addi %add3A_36, %mul3A_38 : i32
    %multiple_of3A_40 = tpu.assume_multiple %add3A_39, 256 : i32
    %scan3A_41 = arith.constant 0 : i32
    %scan3A_42 = arith.constant 256 : i32
    %scan3A_43 = arith.addi %scan3A_41, %scan3A_42 : i32
    %scan3A_44 = arith.constant 1 : i32
    scf.for %scan3A_66 = %scan3A_41 to %scan3A_43 step %scan3A_44  : i32 {
      %swap3A = arith.index_cast %scan3A_66 : i32 to index
      %swap3A_67 = arith.constant 0 : index
      %swap3A_68 = tpu.vector_load %arg16[%swap3A, %swap3A_67] {strides = array<i32>} : memref<256x64xf32, #tpu.memory_space<vmem>>, vector<1x16xf32>,
      %swap3A_69 = vector.shape_cast %swap3A_68 : vector<1x16xf32> to vector<16xf32>
      %swap3A_70 = vector.shape_cast %broadcast_in_dim3A_1 : vector<16xf32> to vector<1x16xf32>
      tpu.vector_store %arg16[%swap3A, %swap3A_67], %swap3A_70 {strides = array<i32>} : memref<256x64xf32, #tpu.memory_space<vmem>>, vector<1x16xf32>,
      %swap3A_71 = arith.index_cast %scan3A_66 : i32 to index
      %swap3A_72 = arith.constant 16 : index
      %swap3A_73 = tpu.vector_load %arg16[%swap3A_71, %swap3A_72] {strides = array<i32>} : memref<256x64xf32, #tpu.memory_space<vmem>>, vector<1x16xf32>,
      %swap3A_74 = vector.shape_cast %swap3A_73 : vector<1x16xf32> to vector<16xf32>
      %swap3A_75 = vector.shape_cast %broadcast_in_dim3A_1 : vector<16xf32> to vector<1x16xf32>
      tpu.vector_store %arg16[%swap3A_71, %swap3A_72], %swap3A_75 {strides = array<i32>} : memref<256x64xf32, #tpu.memory_space<vmem>>, vector<1x16xf32>,
      %swap3A_76 = arith.index_cast %scan3A_66 : i32 to index
      %swap3A_77 = arith.constant 32 : index
      %swap3A_78 = tpu.vector_load %arg16[%swap3A_76, %swap3A_77] {strides = array<i32>} : memref<256x64xf32, #tpu.memory_space<vmem>>, vector<1x16xf32>,
      %swap3A_79 = vector.shape_cast %swap3A_78 : vector<1x16xf32> to vector<16xf32>
      %swap3A_80 = vector.shape_cast %broadcast_in_dim3A_1 : vector<16xf32> to vector<1x16xf32>
      tpu.vector_store %arg16[%swap3A_76, %swap3A_77], %swap3A_80 {strides = array<i32>} : memref<256x64xf32, #tpu.memory_space<vmem>>, vector<1x16xf32>,
      %swap3A_81 = arith.index_cast %scan3A_66 : i32 to index
      %swap3A_82 = arith.constant 48 : index
      %swap3A_83 = tpu.vector_load %arg16[%swap3A_81, %swap3A_82] {strides = array<i32>} : memref<256x64xf32, #tpu.memory_space<vmem>>, vector<1x16xf32>,
      %swap3A_84 = vector.shape_cast %swap3A_83 : vector<1x16xf32> to vector<16xf32>
      %swap3A_85 = vector.shape_cast %broadcast_in_dim3A_1 : vector<16xf32> to vector<1x16xf32>
      tpu.vector_store %arg16[%swap3A_81, %swap3A_82], %swap3A_85 {strides = array<i32>} : memref<256x64xf32, #tpu.memory_space<vmem>>, vector<1x16xf32>,
    }
    %scan3A_45 = arith.constant 256 : i32
    "tpu.region"() ({
      %run_scoped3A = tpu.sem_alloc : memref<!tpu.dma_semaphore, #tpu.memory_space<semaphore_mem>>
      %dma_start3A_66 = arith.constant 0 : i32
      %dma_start3A_67 = tpu.memref_slice %arg17[%mul3A_0, %dma_start3A_66] : memref<4096x64xf32, #tpu.memory_space<vmem_shared>> -> memref<256x64xf32, #tpu.memory_space<vmem_shared>>
      %dma_start3A_68 = arith.constant 0 : i32
      %dma_start3A_69 = tpu.memref_slice %arg17[%mul3A_0, %dma_start3A_68] : memref<4096x64xf32, #tpu.memory_space<vmem_shared>> -> memref<256x64xf32, #tpu.memory_space<vmem_shared>>
      tpu.enqueue_dma source(%arg16 : memref<256x64xf32, #tpu.memory_space<vmem>>) target(%dma_start3A_69 : memref<256x64xf32, #tpu.memory_space<vmem_shared>>) target_semaphore(%run_scoped3A : memref<!tpu.dma_semaphore, #tpu.memory_space<semaphore_mem>>)
      %dma_wait3A = arith.constant 0 : i32
      %dma_wait3A_70 = tpu.memref_slice %arg17[%mul3A_0, %dma_wait3A] : memref<4096x64xf32, #tpu.memory_space<vmem_shared>> -> memref<256x64xf32, #tpu.memory_space<vmem_shared>>
      %dma_wait3A_71 = arith.constant 0 : i32
      %dma_wait3A_72 = tpu.memref_slice %arg17[%mul3A_0, %dma_wait3A_71] : memref<4096x64xf32, #tpu.memory_space<vmem_shared>> -> memref<256x64xf32, #tpu.memory_space<vmem_shared>>
      tpu.wait_dma2 semaphore(%run_scoped3A : memref<!tpu.dma_semaphore, #tpu.memory_space<semaphore_mem>>) src(%arg16 : memref<256x64xf32, #tpu.memory_space<vmem>>) dst(%dma_wait3A_72 : memref<256x64xf32, #tpu.memory_space<vmem_shared>>)
      tpu.yield
    }) : () -> ()
    "tpu.region"() ({
      %run_scoped3A = tpu.sem_alloc : memref<!tpu.dma_semaphore, #tpu.memory_space<semaphore_mem>>
      %dma_start3A_66 = arith.constant 0 : i32
      %dma_start3A_67 = tpu.memref_slice %arg18[%mul3A_0, %dma_start3A_66] : memref<4096x64xf32, #tpu.memory_space<vmem_shared>> -> memref<256x64xf32, #tpu.memory_space<vmem_shared>>
      %dma_start3A_68 = arith.constant 0 : i32
      %dma_start3A_69 = tpu.memref_slice %arg18[%mul3A_0, %dma_start3A_68] : memref<4096x64xf32, #tpu.memory_space<vmem_shared>> -> memref<256x64xf32, #tpu.memory_space<vmem_shared>>
      tpu.enqueue_dma source(%arg16 : memref<256x64xf32, #tpu.memory_space<vmem>>) target(%dma_start3A_69 : memref<256x64xf32, #tpu.memory_space<vmem_shared>>) target_semaphore(%run_scoped3A : memref<!tpu.dma_semaphore, #tpu.memory_space<semaphore_mem>>)
      %dma_wait3A = arith.constant 0 : i32
      %dma_wait3A_70 = tpu.memref_slice %arg18[%mul3A_0, %dma_wait3A] : memref<4096x64xf32, #tpu.memory_space<vmem_shared>> -> memref<256x64xf32, #tpu.memory_space<vmem_shared>>
      %dma_wait3A_71 = arith.constant 0 : i32
      %dma_wait3A_72 = tpu.memref_slice %arg18[%mul3A_0, %dma_wait3A_71] : memref<4096x64xf32, #tpu.memory_space<vmem_shared>> -> memref<256x64xf32, #tpu.memory_space<vmem_shared>>
      tpu.wait_dma2 semaphore(%run_scoped3A : memref<!tpu.dma_semaphore, #tpu.memory_space<semaphore_mem>>) src(%arg16 : memref<256x64xf32, #tpu.memory_space<vmem>>) dst(%dma_wait3A_72 : memref<256x64xf32, #tpu.memory_space<vmem_shared>>)
      tpu.yield
    }) : () -> ()
    %mul3A_46 = arith.constant 50 : i32
    %mul3A_47 = arith.muli %add3A_39, %mul3A_46 : i32
    %multiple_of3A_48 = tpu.assume_multiple %mul3A_47, 12800 : i32
    "tpu.region"() ({
      %run_scoped3A = tpu.sem_alloc : memref<!tpu.dma_semaphore, #tpu.memory_space<semaphore_mem>>
      %dma_start3A_66 = tpu.memref_slice %arg4[%multiple_of3A_48] : memref<819200xi32, #tpu.memory_space<hbm>> -> memref<12800xi32, #tpu.memory_space<hbm>>
      %dma_start3A_67 = tpu.memref_slice %arg4[%multiple_of3A_48] : memref<819200xi32, #tpu.memory_space<hbm>> -> memref<12800xi32, #tpu.memory_space<hbm>>
      tpu.enqueue_dma source(%dma_start3A_67 : memref<12800xi32, #tpu.memory_space<hbm>>) target(%arg8 : memref<12800xi32, #tpu.memory_space<vmem>>) target_semaphore(%run_scoped3A : memref<!tpu.dma_semaphore, #tpu.memory_space<semaphore_mem>>)
      %dma_wait3A = tpu.memref_slice %arg4[%multiple_of3A_48] : memref<819200xi32, #tpu.memory_space<hbm>> -> memref<12800xi32, #tpu.memory_space<hbm>>
      %dma_wait3A_68 = tpu.memref_slice %arg4[%multiple_of3A_48] : memref<819200xi32, #tpu.memory_space<hbm>> -> memref<12800xi32, #tpu.memory_space<hbm>>
      tpu.wait_dma2 semaphore(%run_scoped3A : memref<!tpu.dma_semaphore, #tpu.memory_space<semaphore_mem>>) src(%dma_wait3A_68 : memref<12800xi32, #tpu.memory_space<hbm>>) dst(%arg8 : memref<12800xi32, #tpu.memory_space<vmem>>)
      tpu.yield
    }) : () -> ()
    "tpu.region"() ({
      %run_scoped3A = tpu.sem_alloc : memref<!tpu.dma_semaphore, #tpu.memory_space<semaphore_mem>>
      %dma_start3A_66 = tpu.memref_slice %arg5[%multiple_of3A_48] : memref<819200xi32, #tpu.memory_space<hbm>> -> memref<12800xi32, #tpu.memory_space<hbm>>
      %dma_start3A_67 = tpu.memref_slice %arg5[%multiple_of3A_48] : memref<819200xi32, #tpu.memory_space<hbm>> -> memref<12800xi32, #tpu.memory_space<hbm>>
      tpu.enqueue_dma source(%dma_start3A_67 : memref<12800xi32, #tpu.memory_space<hbm>>) target(%arg9 : memref<12800xi32, #tpu.memory_space<vmem>>) target_semaphore(%run_scoped3A : memref<!tpu.dma_semaphore, #tpu.memory_space<semaphore_mem>>)
      %dma_wait3A = tpu.memref_slice %arg5[%multiple_of3A_48] : memref<819200xi32, #tpu.memory_space<hbm>> -> memref<12800xi32, #tpu.memory_space<hbm>>
      %dma_wait3A_68 = tpu.memref_slice %arg5[%multiple_of3A_48] : memref<819200xi32, #tpu.memory_space<hbm>> -> memref<12800xi32, #tpu.memory_space<hbm>>
      tpu.wait_dma2 semaphore(%run_scoped3A : memref<!tpu.dma_semaphore, #tpu.memory_space<semaphore_mem>>) src(%dma_wait3A_68 : memref<12800xi32, #tpu.memory_space<hbm>>) dst(%arg9 : memref<12800xi32, #tpu.memory_space<vmem>>)
      tpu.yield
    }) : () -> ()
    %multiple_of3A_49 = arith.constant 0 : i32
    %multiple_of3A_50 = tpu.assume_multiple %multiple_of3A_49, 128 : i32
    %dma_start3A_51 = tpu.memref_slice %arg8[%multiple_of3A_50] : memref<12800xi32, #tpu.memory_space<vmem>> -> memref<128xi32, #tpu.memory_space<vmem>>
    %dma_start3A_52 = arith.constant 0 : i32
    %dma_start3A_53 = arith.constant 0 : i32
    %dma_start3A_54 = tpu.memref_slice %arg2[%dma_start3A_52, %dma_start3A_53] : memref<4096x64xf32, #tpu.memory_space<hbm>> -> memref<4096x64xf32, #tpu.memory_space<hbm>>
    tpu.enqueue_indirect_dma source(%dma_start3A_54 : memref<4096x64xf32, #tpu.memory_space<hbm>>) target(%arg12 : memref<128x64xf32, #tpu.memory_space<vmem>>) offsets(%dma_start3A_51 : memref<128xi32, #tpu.memory_space<vmem>>) semaphore(%arg19 : memref<!tpu.dma_semaphore, #tpu.memory_space<semaphore_mem>>)
    %multiple_of3A_55 = arith.constant 0 : i32
    %multiple_of3A_56 = tpu.assume_multiple %multiple_of3A_55, 128 : i32
    %dma_start3A_57 = tpu.memref_slice %arg9[%multiple_of3A_56] : memref<12800xi32, #tpu.memory_space<vmem>> -> memref<128xi32, #tpu.memory_space<vmem>>
    %dma_start3A_58 = arith.constant 0 : i32
    %dma_start3A_59 = arith.constant 0 : i32
    %dma_start3A_60 = tpu.memref_slice %arg3[%dma_start3A_58, %dma_start3A_59] : memref<2048x64xf32, #tpu.memory_space<hbm>> -> memref<2048x64xf32, #tpu.memory_space<hbm>>
    tpu.enqueue_indirect_dma source(%dma_start3A_60 : memref<2048x64xf32, #tpu.memory_space<hbm>>) target(%arg14 : memref<128x64xf32, #tpu.memory_space<vmem>>) offsets(%dma_start3A_57 : memref<128xi32, #tpu.memory_space<vmem>>) semaphore(%arg21 : memref<!tpu.dma_semaphore, #tpu.memory_space<semaphore_mem>>)
    %scan3A_61 = arith.constant 0 : i32
    %scan3A_62 = arith.constant 50 : i32
    %scan3A_63 = arith.addi %scan3A_61, %scan3A_62 : i32
    %scan3A_64 = arith.constant 1 : i32
    scf.for %scan3A_66 = %scan3A_61 to %scan3A_63 step %scan3A_64  : i32 {
      %mul3A_67 = arith.constant 2 : i32
      %mul3A_68 = arith.muli %scan3A_66, %mul3A_67 : i32
      %add3A_69 = arith.constant 1 : i32
      %add3A_70 = arith.addi %mul3A_68, %add3A_69 : i32
      %mul3A_71 = arith.constant 128 : i32
      %mul3A_72 = arith.muli %add3A_70, %mul3A_71 : i32
      %multiple_of3A_73 = tpu.assume_multiple %mul3A_72, 128 : i32
      %dma_start3A_74 = tpu.memref_slice %arg8[%multiple_of3A_73] : memref<12800xi32, #tpu.memory_space<vmem>> -> memref<128xi32, #tpu.memory_space<vmem>>
      %dma_start3A_75 = arith.constant 0 : i32
      %dma_start3A_76 = arith.constant 0 : i32
      %dma_start3A_77 = tpu.memref_slice %arg2[%dma_start3A_75, %dma_start3A_76] : memref<4096x64xf32, #tpu.memory_space<hbm>> -> memref<4096x64xf32, #tpu.memory_space<hbm>>
      tpu.enqueue_indirect_dma source(%dma_start3A_77 : memref<4096x64xf32, #tpu.memory_space<hbm>>) target(%arg13 : memref<128x64xf32, #tpu.memory_space<vmem>>) offsets(%dma_start3A_74 : memref<128xi32, #tpu.memory_space<vmem>>) semaphore(%arg20 : memref<!tpu.dma_semaphore, #tpu.memory_space<semaphore_mem>>)
      %mul3A_78 = arith.constant 128 : i32
      %mul3A_79 = arith.muli %add3A_70, %mul3A_78 : i32
      %multiple_of3A_80 = tpu.assume_multiple %mul3A_79, 128 : i32
      %dma_start3A_81 = tpu.memref_slice %arg9[%multiple_of3A_80] : memref<12800xi32, #tpu.memory_space<vmem>> -> memref<128xi32, #tpu.memory_space<vmem>>
      %dma_start3A_82 = arith.constant 0 : i32
      %dma_start3A_83 = arith.constant 0 : i32
      %dma_start3A_84 = tpu.memref_slice %arg3[%dma_start3A_82, %dma_start3A_83] : memref<2048x64xf32, #tpu.memory_space<hbm>> -> memref<2048x64xf32, #tpu.memory_space<hbm>>
      tpu.enqueue_indirect_dma source(%dma_start3A_84 : memref<2048x64xf32, #tpu.memory_space<hbm>>) target(%arg15 : memref<128x64xf32, #tpu.memory_space<vmem>>) offsets(%dma_start3A_81 : memref<128xi32, #tpu.memory_space<vmem>>) semaphore(%arg22 : memref<!tpu.dma_semaphore, #tpu.memory_space<semaphore_mem>>)
      %mul3A_85 = arith.constant 128 : i32
      %mul3A_86 = arith.muli %mul3A_68, %mul3A_85 : i32
      %add3A_87 = arith.constant 0 : i32
      %add3A_88 = arith.addi %mul3A_86, %add3A_87 : i32
      %add3A_89 = vector.broadcast %add3A_88 : i32 to vector<16xi32>
      %add3A_90 = arith.addi %add3A_89, %iota3A : vector<16xi32>
      %div3A = arith.divsi %add3A_90, %broadcast_in_dim3A_3 : vector<16xi32>
      %add3A_91 = vector.broadcast %mul3A_0 : i32 to vector<16xi32>
      %add3A_92 = arith.addi %add3A_91, %div3A : vector<16xi32>
      %swap3A = arith.constant 0 : index
      %swap3A_93 = tpu.vector_load %arg10[%swap3A] {strides = array<i32>} : memref<128xi32, #tpu.memory_space<vmem>>, vector<16xi32>,
      %swap3A_94 = vector.shape_cast %swap3A_93 : vector<16xi32> to vector<16xi32>
      %swap3A_95 = vector.shape_cast %add3A_92 : vector<16xi32> to vector<16xi32>
      tpu.vector_store %arg10[%swap3A], %swap3A_95 {strides = array<i32>} : memref<128xi32, #tpu.memory_space<vmem>>, vector<16xi32>,
      %add3A_96 = arith.constant 16 : i32
      %add3A_97 = arith.addi %mul3A_86, %add3A_96 : i32
      %add3A_98 = vector.broadcast %add3A_97 : i32 to vector<16xi32>
      %add3A_99 = arith.addi %add3A_98, %iota3A : vector<16xi32>
      %div3A_100 = arith.divsi %add3A_99, %broadcast_in_dim3A_3 : vector<16xi32>
      %add3A_101 = vector.broadcast %mul3A_0 : i32 to vector<16xi32>
      %add3A_102 = arith.addi %add3A_101, %div3A_100 : vector<16xi32>
      %swap3A_103 = arith.constant 16 : index
      %swap3A_104 = tpu.vector_load %arg10[%swap3A_103] {strides = array<i32>} : memref<128xi32, #tpu.memory_space<vmem>>, vector<16xi32>,
      %swap3A_105 = vector.shape_cast %swap3A_104 : vector<16xi32> to vector<16xi32>
      %swap3A_106 = vector.shape_cast %add3A_102 : vector<16xi32> to vector<16xi32>
      tpu.vector_store %arg10[%swap3A_103], %swap3A_106 {strides = array<i32>} : memref<128xi32, #tpu.memory_space<vmem>>, vector<16xi32>,
      %add3A_107 = arith.constant 32 : i32
      %add3A_108 = arith.addi %mul3A_86, %add3A_107 : i32
      %add3A_109 = vector.broadcast %add3A_108 : i32 to vector<16xi32>
      %add3A_110 = arith.addi %add3A_109, %iota3A : vector<16xi32>
      %div3A_111 = arith.divsi %add3A_110, %broadcast_in_dim3A_3 : vector<16xi32>
      %add3A_112 = vector.broadcast %mul3A_0 : i32 to vector<16xi32>
      %add3A_113 = arith.addi %add3A_112, %div3A_111 : vector<16xi32>
      %swap3A_114 = arith.constant 32 : index
      %swap3A_115 = tpu.vector_load %arg10[%swap3A_114] {strides = array<i32>} : memref<128xi32, #tpu.memory_space<vmem>>, vector<16xi32>,
      %swap3A_116 = vector.shape_cast %swap3A_115 : vector<16xi32> to vector<16xi32>
      %swap3A_117 = vector.shape_cast %add3A_113 : vector<16xi32> to vector<16xi32>
      tpu.vector_store %arg10[%swap3A_114], %swap3A_117 {strides = array<i32>} : memref<128xi32, #tpu.memory_space<vmem>>, vector<16xi32>,
      %add3A_118 = arith.constant 48 : i32
      %add3A_119 = arith.addi %mul3A_86, %add3A_118 : i32
      %add3A_120 = vector.broadcast %add3A_119 : i32 to vector<16xi32>
      %add3A_121 = arith.addi %add3A_120, %iota3A : vector<16xi32>
      %div3A_122 = arith.divsi %add3A_121, %broadcast_in_dim3A_3 : vector<16xi32>
      %add3A_123 = vector.broadcast %mul3A_0 : i32 to vector<16xi32>
      %add3A_124 = arith.addi %add3A_123, %div3A_122 : vector<16xi32>
      %swap3A_125 = arith.constant 48 : index
      %swap3A_126 = tpu.vector_load %arg10[%swap3A_125] {strides = array<i32>} : memref<128xi32, #tpu.memory_space<vmem>>, vector<16xi32>,
      %swap3A_127 = vector.shape_cast %swap3A_126 : vector<16xi32> to vector<16xi32>
      %swap3A_128 = vector.shape_cast %add3A_124 : vector<16xi32> to vector<16xi32>
      tpu.vector_store %arg10[%swap3A_125], %swap3A_128 {strides = array<i32>} : memref<128xi32, #tpu.memory_space<vmem>>, vector<16xi32>,
      %add3A_129 = arith.constant 64 : i32
      %add3A_130 = arith.addi %mul3A_86, %add3A_129 : i32
      %add3A_131 = vector.broadcast %add3A_130 : i32 to vector<16xi32>
      %add3A_132 = arith.addi %add3A_131, %iota3A : vector<16xi32>
      %div3A_133 = arith.divsi %add3A_132, %broadcast_in_dim3A_3 : vector<16xi32>
      %add3A_134 = vector.broadcast %mul3A_0 : i32 to vector<16xi32>
      %add3A_135 = arith.addi %add3A_134, %div3A_133 : vector<16xi32>
      %swap3A_136 = arith.constant 64 : index
      %swap3A_137 = tpu.vector_load %arg10[%swap3A_136] {strides = array<i32>} : memref<128xi32, #tpu.memory_space<vmem>>, vector<16xi32>,
      %swap3A_138 = vector.shape_cast %swap3A_137 : vector<16xi32> to vector<16xi32>
      %swap3A_139 = vector.shape_cast %add3A_135 : vector<16xi32> to vector<16xi32>
      tpu.vector_store %arg10[%swap3A_136], %swap3A_139 {strides = array<i32>} : memref<128xi32, #tpu.memory_space<vmem>>, vector<16xi32>,
      %add3A_140 = arith.constant 80 : i32
      %add3A_141 = arith.addi %mul3A_86, %add3A_140 : i32
      %add3A_142 = vector.broadcast %add3A_141 : i32 to vector<16xi32>
      %add3A_143 = arith.addi %add3A_142, %iota3A : vector<16xi32>
      %div3A_144 = arith.divsi %add3A_143, %broadcast_in_dim3A_3 : vector<16xi32>
      %add3A_145 = vector.broadcast %mul3A_0 : i32 to vector<16xi32>
      %add3A_146 = arith.addi %add3A_145, %div3A_144 : vector<16xi32>
      %swap3A_147 = arith.constant 80 : index
      %swap3A_148 = tpu.vector_load %arg10[%swap3A_147] {strides = array<i32>} : memref<128xi32, #tpu.memory_space<vmem>>, vector<16xi32>,
      %swap3A_149 = vector.shape_cast %swap3A_148 : vector<16xi32> to vector<16xi32>
      %swap3A_150 = vector.shape_cast %add3A_146 : vector<16xi32> to vector<16xi32>
      tpu.vector_store %arg10[%swap3A_147], %swap3A_150 {strides = array<i32>} : memref<128xi32, #tpu.memory_space<vmem>>, vector<16xi32>,
      %add3A_151 = arith.constant 96 : i32
      %add3A_152 = arith.addi %mul3A_86, %add3A_151 : i32
      %add3A_153 = vector.broadcast %add3A_152 : i32 to vector<16xi32>
      %add3A_154 = arith.addi %add3A_153, %iota3A : vector<16xi32>
      %div3A_155 = arith.divsi %add3A_154, %broadcast_in_dim3A_3 : vector<16xi32>
      %add3A_156 = vector.broadcast %mul3A_0 : i32 to vector<16xi32>
      %add3A_157 = arith.addi %add3A_156, %div3A_155 : vector<16xi32>
      %swap3A_158 = arith.constant 96 : index
      %swap3A_159 = tpu.vector_load %arg10[%swap3A_158] {strides = array<i32>} : memref<128xi32, #tpu.memory_space<vmem>>, vector<16xi32>,
      %swap3A_160 = vector.shape_cast %swap3A_159 : vector<16xi32> to vector<16xi32>
      %swap3A_161 = vector.shape_cast %add3A_157 : vector<16xi32> to vector<16xi32>
      tpu.vector_store %arg10[%swap3A_158], %swap3A_161 {strides = array<i32>} : memref<128xi32, #tpu.memory_space<vmem>>, vector<16xi32>,
      %add3A_162 = arith.constant 112 : i32
      %add3A_163 = arith.addi %mul3A_86, %add3A_162 : i32
      %add3A_164 = vector.broadcast %add3A_163 : i32 to vector<16xi32>
      %add3A_165 = arith.addi %add3A_164, %iota3A : vector<16xi32>
      %div3A_166 = arith.divsi %add3A_165, %broadcast_in_dim3A_3 : vector<16xi32>
      %add3A_167 = vector.broadcast %mul3A_0 : i32 to vector<16xi32>
      %add3A_168 = arith.addi %add3A_167, %div3A_166 : vector<16xi32>
      %swap3A_169 = arith.constant 112 : index
      %swap3A_170 = tpu.vector_load %arg10[%swap3A_169] {strides = array<i32>} : memref<128xi32, #tpu.memory_space<vmem>>, vector<16xi32>,
      %swap3A_171 = vector.shape_cast %swap3A_170 : vector<16xi32> to vector<16xi32>
      %swap3A_172 = vector.shape_cast %add3A_168 : vector<16xi32> to vector<16xi32>
      tpu.vector_store %arg10[%swap3A_169], %swap3A_172 {strides = array<i32>} : memref<128xi32, #tpu.memory_space<vmem>>, vector<16xi32>,
      %dma_wait3A = arith.constant 0 : i32
      %dma_wait3A_173 = arith.constant 0 : i32
      %dma_wait3A_174 = tpu.memref_slice %arg2[%dma_wait3A, %dma_wait3A_173] : memref<4096x64xf32, #tpu.memory_space<hbm>> -> memref<128x64xf32, #tpu.memory_space<hbm>>
      %dma_wait3A_175 = arith.constant 0 : i32
      %dma_wait3A_176 = arith.constant 0 : i32
      %dma_wait3A_177 = tpu.memref_slice %arg2[%dma_wait3A_175, %dma_wait3A_176] : memref<4096x64xf32, #tpu.memory_space<hbm>> -> memref<128x64xf32, #tpu.memory_space<hbm>>
      tpu.wait_dma2 semaphore(%arg19 : memref<!tpu.dma_semaphore, #tpu.memory_space<semaphore_mem>>) src(%dma_wait3A_177 : memref<128x64xf32, #tpu.memory_space<hbm>>) dst(%arg12 : memref<128x64xf32, #tpu.memory_space<vmem>>)
      "tpu.region"() ({
        %run_scoped3A = tpu.sem_alloc : memref<!tpu.dma_semaphore, #tpu.memory_space<semaphore_mem>>
        %dma_start3A_288 = arith.constant 0 : i32
        %dma_start3A_289 = arith.constant 0 : i32
        %dma_start3A_290 = tpu.memref_slice %arg17[%dma_start3A_288, %dma_start3A_289] : memref<4096x64xf32, #tpu.memory_space<vmem_shared>> -> memref<4096x64xf32, #tpu.memory_space<vmem_shared>>
        tpu.enqueue_indirect_dma source(%arg12 : memref<128x64xf32, #tpu.memory_space<vmem>>) target(%dma_start3A_290 : memref<4096x64xf32, #tpu.memory_space<vmem_shared>>) offsets(%arg10 : memref<128xi32, #tpu.memory_space<vmem>>) semaphore(%run_scoped3A : memref<!tpu.dma_semaphore, #tpu.memory_space<semaphore_mem>>) {add = true}
        %dma_wait3A_291 = arith.constant 0 : i32
        %dma_wait3A_292 = arith.constant 0 : i32
        %dma_wait3A_293 = tpu.memref_slice %arg17[%dma_wait3A_291, %dma_wait3A_292] : memref<4096x64xf32, #tpu.memory_space<vmem_shared>> -> memref<4096x64xf32, #tpu.memory_space<vmem_shared>>
        tpu.wait_indirect_dma semaphore(%run_scoped3A : memref<!tpu.dma_semaphore, #tpu.memory_space<semaphore_mem>>) src(%arg12 : memref<128x64xf32, #tpu.memory_space<vmem>>) dst(%dma_wait3A_293 : memref<4096x64xf32, #tpu.memory_space<vmem_shared>>)
        tpu.yield
      }) : () -> ()
      %dma_wait3A_178 = arith.constant 0 : i32
      %dma_wait3A_179 = arith.constant 0 : i32
      %dma_wait3A_180 = tpu.memref_slice %arg2[%dma_wait3A_178, %dma_wait3A_179] : memref<4096x64xf32, #tpu.memory_space<hbm>> -> memref<128x64xf32, #tpu.memory_space<hbm>>
      %dma_wait3A_181 = arith.constant 0 : i32
      %dma_wait3A_182 = arith.constant 0 : i32
      %dma_wait3A_183 = tpu.memref_slice %arg2[%dma_wait3A_181, %dma_wait3A_182] : memref<4096x64xf32, #tpu.memory_space<hbm>> -> memref<128x64xf32, #tpu.memory_space<hbm>>
      tpu.wait_dma2 semaphore(%arg21 : memref<!tpu.dma_semaphore, #tpu.memory_space<semaphore_mem>>) src(%dma_wait3A_183 : memref<128x64xf32, #tpu.memory_space<hbm>>) dst(%arg14 : memref<128x64xf32, #tpu.memory_space<vmem>>)
      "tpu.region"() ({
        %run_scoped3A = tpu.sem_alloc : memref<!tpu.dma_semaphore, #tpu.memory_space<semaphore_mem>>
        %dma_start3A_288 = arith.constant 0 : i32
        %dma_start3A_289 = arith.constant 0 : i32
        %dma_start3A_290 = tpu.memref_slice %arg18[%dma_start3A_288, %dma_start3A_289] : memref<4096x64xf32, #tpu.memory_space<vmem_shared>> -> memref<4096x64xf32, #tpu.memory_space<vmem_shared>>
        tpu.enqueue_indirect_dma source(%arg14 : memref<128x64xf32, #tpu.memory_space<vmem>>) target(%dma_start3A_290 : memref<4096x64xf32, #tpu.memory_space<vmem_shared>>) offsets(%arg10 : memref<128xi32, #tpu.memory_space<vmem>>) semaphore(%run_scoped3A : memref<!tpu.dma_semaphore, #tpu.memory_space<semaphore_mem>>) {add = true}
        %dma_wait3A_291 = arith.constant 0 : i32
        %dma_wait3A_292 = arith.constant 0 : i32
        %dma_wait3A_293 = tpu.memref_slice %arg18[%dma_wait3A_291, %dma_wait3A_292] : memref<4096x64xf32, #tpu.memory_space<vmem_shared>> -> memref<4096x64xf32, #tpu.memory_space<vmem_shared>>
        tpu.wait_indirect_dma semaphore(%run_scoped3A : memref<!tpu.dma_semaphore, #tpu.memory_space<semaphore_mem>>) src(%arg14 : memref<128x64xf32, #tpu.memory_space<vmem>>) dst(%dma_wait3A_293 : memref<4096x64xf32, #tpu.memory_space<vmem_shared>>)
        tpu.yield
      }) : () -> ()
      %lt3A = arith.constant 49 : i32
      %lt3A_184 = arith.cmpi slt, %scan3A_66, %lt3A : i32
      %convert_element_type3A = arith.extui %lt3A_184 : i1 to i32
      %cond3A = arith.constant 0 : i32
      %cond3A_185 = arith.cmpi ne, %convert_element_type3A, %cond3A : i32
      scf.if %cond3A_185 {
        %add3A_288 = arith.constant 1 : i32
        %add3A_289 = arith.addi %add3A_70, %add3A_288 : i32
        %mul3A_290 = arith.constant 128 : i32
        %mul3A_291 = arith.muli %add3A_289, %mul3A_290 : i32
        %multiple_of3A_292 = tpu.assume_multiple %mul3A_291, 128 : i32
        %dma_start3A_293 = tpu.memref_slice %arg8[%multiple_of3A_292] : memref<12800xi32, #tpu.memory_space<vmem>> -> memref<128xi32, #tpu.memory_space<vmem>>
        %dma_start3A_294 = arith.constant 0 : i32
        %dma_start3A_295 = arith.constant 0 : i32
        %dma_start3A_296 = tpu.memref_slice %arg2[%dma_start3A_294, %dma_start3A_295] : memref<4096x64xf32, #tpu.memory_space<hbm>> -> memref<4096x64xf32, #tpu.memory_space<hbm>>
        tpu.enqueue_indirect_dma source(%dma_start3A_296 : memref<4096x64xf32, #tpu.memory_space<hbm>>) target(%arg12 : memref<128x64xf32, #tpu.memory_space<vmem>>) offsets(%dma_start3A_293 : memref<128xi32, #tpu.memory_space<vmem>>) semaphore(%arg19 : memref<!tpu.dma_semaphore, #tpu.memory_space<semaphore_mem>>)
        %add3A_297 = arith.constant 1 : i32
        %add3A_298 = arith.addi %add3A_70, %add3A_297 : i32
        %mul3A_299 = arith.constant 128 : i32
        %mul3A_300 = arith.muli %add3A_298, %mul3A_299 : i32
        %multiple_of3A_301 = tpu.assume_multiple %mul3A_300, 128 : i32
        %dma_start3A_302 = tpu.memref_slice %arg9[%multiple_of3A_301] : memref<12800xi32, #tpu.memory_space<vmem>> -> memref<128xi32, #tpu.memory_space<vmem>>
        %dma_start3A_303 = arith.constant 0 : i32
        %dma_start3A_304 = arith.constant 0 : i32
        %dma_start3A_305 = tpu.memref_slice %arg3[%dma_start3A_303, %dma_start3A_304] : memref<2048x64xf32, #tpu.memory_space<hbm>> -> memref<2048x64xf32, #tpu.memory_space<hbm>>
        tpu.enqueue_indirect_dma source(%dma_start3A_305 : memref<2048x64xf32, #tpu.memory_space<hbm>>) target(%arg14 : memref<128x64xf32, #tpu.memory_space<vmem>>) offsets(%dma_start3A_302 : memref<128xi32, #tpu.memory_space<vmem>>) semaphore(%arg21 : memref<!tpu.dma_semaphore, #tpu.memory_space<semaphore_mem>>)
      } else {
      }
      %mul3A_186 = arith.constant 128 : i32
      %mul3A_187 = arith.muli %add3A_70, %mul3A_186 : i32
      %add3A_188 = arith.constant 0 : i32
      %add3A_189 = arith.addi %mul3A_187, %add3A_188 : i32
      %add3A_190 = vector.broadcast %add3A_189 : i32 to vector<16xi32>
      %add3A_191 = arith.addi %add3A_190, %iota3A : vector<16xi32>
      %div3A_192 = arith.divsi %add3A_191, %broadcast_in_dim3A_3 : vector<16xi32>
      %add3A_193 = vector.broadcast %mul3A_0 : i32 to vector<16xi32>
      %add3A_194 = arith.addi %add3A_193, %div3A_192 : vector<16xi32>
      %swap3A_195 = arith.constant 0 : index
      %swap3A_196 = tpu.vector_load %arg11[%swap3A_195] {strides = array<i32>} : memref<128xi32, #tpu.memory_space<vmem>>, vector<16xi32>,
      %swap3A_197 = vector.shape_cast %swap3A_196 : vector<16xi32> to vector<16xi32>
      %swap3A_198 = vector.shape_cast %add3A_194 : vector<16xi32> to vector<16xi32>
      tpu.vector_store %arg11[%swap3A_195], %swap3A_198 {strides = array<i32>} : memref<128xi32, #tpu.memory_space<vmem>>, vector<16xi32>,
      %add3A_199 = arith.constant 16 : i32
      %add3A_200 = arith.addi %mul3A_187, %add3A_199 : i32
      %add3A_201 = vector.broadcast %add3A_200 : i32 to vector<16xi32>
      %add3A_202 = arith.addi %add3A_201, %iota3A : vector<16xi32>
      %div3A_203 = arith.divsi %add3A_202, %broadcast_in_dim3A_3 : vector<16xi32>
      %add3A_204 = vector.broadcast %mul3A_0 : i32 to vector<16xi32>
      %add3A_205 = arith.addi %add3A_204, %div3A_203 : vector<16xi32>
      %swap3A_206 = arith.constant 16 : index
      %swap3A_207 = tpu.vector_load %arg11[%swap3A_206] {strides = array<i32>} : memref<128xi32, #tpu.memory_space<vmem>>, vector<16xi32>,
      %swap3A_208 = vector.shape_cast %swap3A_207 : vector<16xi32> to vector<16xi32>
      %swap3A_209 = vector.shape_cast %add3A_205 : vector<16xi32> to vector<16xi32>
      tpu.vector_store %arg11[%swap3A_206], %swap3A_209 {strides = array<i32>} : memref<128xi32, #tpu.memory_space<vmem>>, vector<16xi32>,
      %add3A_210 = arith.constant 32 : i32
      %add3A_211 = arith.addi %mul3A_187, %add3A_210 : i32
      %add3A_212 = vector.broadcast %add3A_211 : i32 to vector<16xi32>
      %add3A_213 = arith.addi %add3A_212, %iota3A : vector<16xi32>
      %div3A_214 = arith.divsi %add3A_213, %broadcast_in_dim3A_3 : vector<16xi32>
      %add3A_215 = vector.broadcast %mul3A_0 : i32 to vector<16xi32>
      %add3A_216 = arith.addi %add3A_215, %div3A_214 : vector<16xi32>
      %swap3A_217 = arith.constant 32 : index
      %swap3A_218 = tpu.vector_load %arg11[%swap3A_217] {strides = array<i32>} : memref<128xi32, #tpu.memory_space<vmem>>, vector<16xi32>,
      %swap3A_219 = vector.shape_cast %swap3A_218 : vector<16xi32> to vector<16xi32>
      %swap3A_220 = vector.shape_cast %add3A_216 : vector<16xi32> to vector<16xi32>
      tpu.vector_store %arg11[%swap3A_217], %swap3A_220 {strides = array<i32>} : memref<128xi32, #tpu.memory_space<vmem>>, vector<16xi32>,
      %add3A_221 = arith.constant 48 : i32
      %add3A_222 = arith.addi %mul3A_187, %add3A_221 : i32
      %add3A_223 = vector.broadcast %add3A_222 : i32 to vector<16xi32>
      %add3A_224 = arith.addi %add3A_223, %iota3A : vector<16xi32>
      %div3A_225 = arith.divsi %add3A_224, %broadcast_in_dim3A_3 : vector<16xi32>
      %add3A_226 = vector.broadcast %mul3A_0 : i32 to vector<16xi32>
      %add3A_227 = arith.addi %add3A_226, %div3A_225 : vector<16xi32>
      %swap3A_228 = arith.constant 48 : index
      %swap3A_229 = tpu.vector_load %arg11[%swap3A_228] {strides = array<i32>} : memref<128xi32, #tpu.memory_space<vmem>>, vector<16xi32>,
      %swap3A_230 = vector.shape_cast %swap3A_229 : vector<16xi32> to vector<16xi32>
      %swap3A_231 = vector.shape_cast %add3A_227 : vector<16xi32> to vector<16xi32>
      tpu.vector_store %arg11[%swap3A_228], %swap3A_231 {strides = array<i32>} : memref<128xi32, #tpu.memory_space<vmem>>, vector<16xi32>,
      %add3A_232 = arith.constant 64 : i32
      %add3A_233 = arith.addi %mul3A_187, %add3A_232 : i32
      %add3A_234 = vector.broadcast %add3A_233 : i32 to vector<16xi32>
      %add3A_235 = arith.addi %add3A_234, %iota3A : vector<16xi32>
      %div3A_236 = arith.divsi %add3A_235, %broadcast_in_dim3A_3 : vector<16xi32>
      %add3A_237 = vector.broadcast %mul3A_0 : i32 to vector<16xi32>
      %add3A_238 = arith.addi %add3A_237, %div3A_236 : vector<16xi32>
      %swap3A_239 = arith.constant 64 : index
      %swap3A_240 = tpu.vector_load %arg11[%swap3A_239] {strides = array<i32>} : memref<128xi32, #tpu.memory_space<vmem>>, vector<16xi32>,
      %swap3A_241 = vector.shape_cast %swap3A_240 : vector<16xi32> to vector<16xi32>
      %swap3A_242 = vector.shape_cast %add3A_238 : vector<16xi32> to vector<16xi32>
      tpu.vector_store %arg11[%swap3A_239], %swap3A_242 {strides = array<i32>} : memref<128xi32, #tpu.memory_space<vmem>>, vector<16xi32>,
      %add3A_243 = arith.constant 80 : i32
      %add3A_244 = arith.addi %mul3A_187, %add3A_243 : i32
      %add3A_245 = vector.broadcast %add3A_244 : i32 to vector<16xi32>
      %add3A_246 = arith.addi %add3A_245, %iota3A : vector<16xi32>
      %div3A_247 = arith.divsi %add3A_246, %broadcast_in_dim3A_3 : vector<16xi32>
      %add3A_248 = vector.broadcast %mul3A_0 : i32 to vector<16xi32>
      %add3A_249 = arith.addi %add3A_248, %div3A_247 : vector<16xi32>
      %swap3A_250 = arith.constant 80 : index
      %swap3A_251 = tpu.vector_load %arg11[%swap3A_250] {strides = array<i32>} : memref<128xi32, #tpu.memory_space<vmem>>, vector<16xi32>,
      %swap3A_252 = vector.shape_cast %swap3A_251 : vector<16xi32> to vector<16xi32>
      %swap3A_253 = vector.shape_cast %add3A_249 : vector<16xi32> to vector<16xi32>
      tpu.vector_store %arg11[%swap3A_250], %swap3A_253 {strides = array<i32>} : memref<128xi32, #tpu.memory_space<vmem>>, vector<16xi32>,
      %add3A_254 = arith.constant 96 : i32
      %add3A_255 = arith.addi %mul3A_187, %add3A_254 : i32
      %add3A_256 = vector.broadcast %add3A_255 : i32 to vector<16xi32>
      %add3A_257 = arith.addi %add3A_256, %iota3A : vector<16xi32>
      %div3A_258 = arith.divsi %add3A_257, %broadcast_in_dim3A_3 : vector<16xi32>
      %add3A_259 = vector.broadcast %mul3A_0 : i32 to vector<16xi32>
      %add3A_260 = arith.addi %add3A_259, %div3A_258 : vector<16xi32>
      %swap3A_261 = arith.constant 96 : index
      %swap3A_262 = tpu.vector_load %arg11[%swap3A_261] {strides = array<i32>} : memref<128xi32, #tpu.memory_space<vmem>>, vector<16xi32>,
      %swap3A_263 = vector.shape_cast %swap3A_262 : vector<16xi32> to vector<16xi32>
      %swap3A_264 = vector.shape_cast %add3A_260 : vector<16xi32> to vector<16xi32>
      tpu.vector_store %arg11[%swap3A_261], %swap3A_264 {strides = array<i32>} : memref<128xi32, #tpu.memory_space<vmem>>, vector<16xi32>,
      %add3A_265 = arith.constant 112 : i32
      %add3A_266 = arith.addi %mul3A_187, %add3A_265 : i32
      %add3A_267 = vector.broadcast %add3A_266 : i32 to vector<16xi32>
      %add3A_268 = arith.addi %add3A_267, %iota3A : vector<16xi32>
      %div3A_269 = arith.divsi %add3A_268, %broadcast_in_dim3A_3 : vector<16xi32>
      %add3A_270 = vector.broadcast %mul3A_0 : i32 to vector<16xi32>
      %add3A_271 = arith.addi %add3A_270, %div3A_269 : vector<16xi32>
      %swap3A_272 = arith.constant 112 : index
      %swap3A_273 = tpu.vector_load %arg11[%swap3A_272] {strides = array<i32>} : memref<128xi32, #tpu.memory_space<vmem>>, vector<16xi32>,
      %swap3A_274 = vector.shape_cast %swap3A_273 : vector<16xi32> to vector<16xi32>
      %swap3A_275 = vector.shape_cast %add3A_271 : vector<16xi32> to vector<16xi32>
      tpu.vector_store %arg11[%swap3A_272], %swap3A_275 {strides = array<i32>} : memref<128xi32, #tpu.memory_space<vmem>>, vector<16xi32>,
      %dma_wait3A_276 = arith.constant 0 : i32
      %dma_wait3A_277 = arith.constant 0 : i32
      %dma_wait3A_278 = tpu.memref_slice %arg2[%dma_wait3A_276, %dma_wait3A_277] : memref<4096x64xf32, #tpu.memory_space<hbm>> -> memref<128x64xf32, #tpu.memory_space<hbm>>
      %dma_wait3A_279 = arith.constant 0 : i32
      %dma_wait3A_280 = arith.constant 0 : i32
      %dma_wait3A_281 = tpu.memref_slice %arg2[%dma_wait3A_279, %dma_wait3A_280] : memref<4096x64xf32, #tpu.memory_space<hbm>> -> memref<128x64xf32, #tpu.memory_space<hbm>>
      tpu.wait_dma2 semaphore(%arg20 : memref<!tpu.dma_semaphore, #tpu.memory_space<semaphore_mem>>) src(%dma_wait3A_281 : memref<128x64xf32, #tpu.memory_space<hbm>>) dst(%arg13 : memref<128x64xf32, #tpu.memory_space<vmem>>)
      "tpu.region"() ({
        %run_scoped3A = tpu.sem_alloc : memref<!tpu.dma_semaphore, #tpu.memory_space<semaphore_mem>>
        %dma_start3A_288 = arith.constant 0 : i32
        %dma_start3A_289 = arith.constant 0 : i32
        %dma_start3A_290 = tpu.memref_slice %arg17[%dma_start3A_288, %dma_start3A_289] : memref<4096x64xf32, #tpu.memory_space<vmem_shared>> -> memref<4096x64xf32, #tpu.memory_space<vmem_shared>>
        tpu.enqueue_indirect_dma source(%arg13 : memref<128x64xf32, #tpu.memory_space<vmem>>) target(%dma_start3A_290 : memref<4096x64xf32, #tpu.memory_space<vmem_shared>>) offsets(%arg11 : memref<128xi32, #tpu.memory_space<vmem>>) semaphore(%run_scoped3A : memref<!tpu.dma_semaphore, #tpu.memory_space<semaphore_mem>>) {add = true}
        %dma_wait3A_291 = arith.constant 0 : i32
        %dma_wait3A_292 = arith.constant 0 : i32
        %dma_wait3A_293 = tpu.memref_slice %arg17[%dma_wait3A_291, %dma_wait3A_292] : memref<4096x64xf32, #tpu.memory_space<vmem_shared>> -> memref<4096x64xf32, #tpu.memory_space<vmem_shared>>
        tpu.wait_indirect_dma semaphore(%run_scoped3A : memref<!tpu.dma_semaphore, #tpu.memory_space<semaphore_mem>>) src(%arg13 : memref<128x64xf32, #tpu.memory_space<vmem>>) dst(%dma_wait3A_293 : memref<4096x64xf32, #tpu.memory_space<vmem_shared>>)
        tpu.yield
      }) : () -> ()
      %dma_wait3A_282 = arith.constant 0 : i32
      %dma_wait3A_283 = arith.constant 0 : i32
      %dma_wait3A_284 = tpu.memref_slice %arg2[%dma_wait3A_282, %dma_wait3A_283] : memref<4096x64xf32, #tpu.memory_space<hbm>> -> memref<128x64xf32, #tpu.memory_space<hbm>>
      %dma_wait3A_285 = arith.constant 0 : i32
      %dma_wait3A_286 = arith.constant 0 : i32
      %dma_wait3A_287 = tpu.memref_slice %arg2[%dma_wait3A_285, %dma_wait3A_286] : memref<4096x64xf32, #tpu.memory_space<hbm>> -> memref<128x64xf32, #tpu.memory_space<hbm>>
      tpu.wait_dma2 semaphore(%arg22 : memref<!tpu.dma_semaphore, #tpu.memory_space<semaphore_mem>>) src(%dma_wait3A_287 : memref<128x64xf32, #tpu.memory_space<hbm>>) dst(%arg15 : memref<128x64xf32, #tpu.memory_space<vmem>>)
      "tpu.region"() ({
        %run_scoped3A = tpu.sem_alloc : memref<!tpu.dma_semaphore, #tpu.memory_space<semaphore_mem>>
        %dma_start3A_288 = arith.constant 0 : i32
        %dma_start3A_289 = arith.constant 0 : i32
        %dma_start3A_290 = tpu.memref_slice %arg18[%dma_start3A_288, %dma_start3A_289] : memref<4096x64xf32, #tpu.memory_space<vmem_shared>> -> memref<4096x64xf32, #tpu.memory_space<vmem_shared>>
        tpu.enqueue_indirect_dma source(%arg15 : memref<128x64xf32, #tpu.memory_space<vmem>>) target(%dma_start3A_290 : memref<4096x64xf32, #tpu.memory_space<vmem_shared>>) offsets(%arg11 : memref<128xi32, #tpu.memory_space<vmem>>) semaphore(%run_scoped3A : memref<!tpu.dma_semaphore, #tpu.memory_space<semaphore_mem>>) {add = true}
        %dma_wait3A_291 = arith.constant 0 : i32
        %dma_wait3A_292 = arith.constant 0 : i32
        %dma_wait3A_293 = tpu.memref_slice %arg18[%dma_wait3A_291, %dma_wait3A_292] : memref<4096x64xf32, #tpu.memory_space<vmem_shared>> -> memref<4096x64xf32, #tpu.memory_space<vmem_shared>>
        tpu.wait_indirect_dma semaphore(%run_scoped3A : memref<!tpu.dma_semaphore, #tpu.memory_space<semaphore_mem>>) src(%arg15 : memref<128x64xf32, #tpu.memory_space<vmem>>) dst(%dma_wait3A_293 : memref<4096x64xf32, #tpu.memory_space<vmem_shared>>)
        tpu.yield
      }) : () -> ()
    }
    %scan3A_65 = arith.constant 50 : i32
    "tpu.region"() ({
      %run_scoped3A = tpu.sem_alloc : memref<!tpu.dma_semaphore, #tpu.memory_space<semaphore_mem>>
      %dma_start3A_66 = arith.constant 0 : i32
      %dma_start3A_67 = tpu.memref_slice %arg17[%mul3A_0, %dma_start3A_66] : memref<4096x64xf32, #tpu.memory_space<vmem_shared>> -> memref<256x64xf32, #tpu.memory_space<vmem_shared>>
      %dma_start3A_68 = arith.constant 0 : i32
      %dma_start3A_69 = tpu.memref_slice %arg17[%mul3A_0, %dma_start3A_68] : memref<4096x64xf32, #tpu.memory_space<vmem_shared>> -> memref<256x64xf32, #tpu.memory_space<vmem_shared>>
      tpu.enqueue_dma source(%dma_start3A_69 : memref<256x64xf32, #tpu.memory_space<vmem_shared>>) target(%arg16 : memref<256x64xf32, #tpu.memory_space<vmem>>) target_semaphore(%run_scoped3A : memref<!tpu.dma_semaphore, #tpu.memory_space<semaphore_mem>>)
      %dma_wait3A = arith.constant 0 : i32
      %dma_wait3A_70 = tpu.memref_slice %arg17[%mul3A_0, %dma_wait3A] : memref<4096x64xf32, #tpu.memory_space<vmem_shared>> -> memref<256x64xf32, #tpu.memory_space<vmem_shared>>
      %dma_wait3A_71 = arith.constant 0 : i32
      %dma_wait3A_72 = tpu.memref_slice %arg17[%mul3A_0, %dma_wait3A_71] : memref<4096x64xf32, #tpu.memory_space<vmem_shared>> -> memref<256x64xf32, #tpu.memory_space<vmem_shared>>
      tpu.wait_dma2 semaphore(%run_scoped3A : memref<!tpu.dma_semaphore, #tpu.memory_space<semaphore_mem>>) src(%dma_wait3A_72 : memref<256x64xf32, #tpu.memory_space<vmem_shared>>) dst(%arg16 : memref<256x64xf32, #tpu.memory_space<vmem>>)
      tpu.yield
    }) : () -> ()
    "tpu.region"() ({
      %run_scoped3A = tpu.sem_alloc : memref<!tpu.dma_semaphore, #tpu.memory_space<semaphore_mem>>
      %dma_start3A_66 = arith.constant 0 : i32
      %dma_start3A_67 = tpu.memref_slice %arg6[%multiple_of3A_40, %dma_start3A_66] : memref<16384x64xf32, #tpu.memory_space<hbm>> -> memref<256x64xf32, #tpu.memory_space<hbm>>
      %dma_start3A_68 = arith.constant 0 : i32
      %dma_start3A_69 = tpu.memref_slice %arg6[%multiple_of3A_40, %dma_start3A_68] : memref<16384x64xf32, #tpu.memory_space<hbm>> -> memref<256x64xf32, #tpu.memory_space<hbm>>
      tpu.enqueue_dma source(%arg16 : memref<256x64xf32, #tpu.memory_space<vmem>>) target(%dma_start3A_69 : memref<256x64xf32, #tpu.memory_space<hbm>>) target_semaphore(%run_scoped3A : memref<!tpu.dma_semaphore, #tpu.memory_space<semaphore_mem>>)
      %dma_wait3A = arith.constant 0 : i32
      %dma_wait3A_70 = tpu.memref_slice %arg6[%multiple_of3A_40, %dma_wait3A] : memref<16384x64xf32, #tpu.memory_space<hbm>> -> memref<256x64xf32, #tpu.memory_space<hbm>>
      %dma_wait3A_71 = arith.constant 0 : i32
      %dma_wait3A_72 = tpu.memref_slice %arg6[%multiple_of3A_40, %dma_wait3A_71] : memref<16384x64xf32, #tpu.memory_space<hbm>> -> memref<256x64xf32, #tpu.memory_space<hbm>>
      tpu.wait_dma2 semaphore(%run_scoped3A : memref<!tpu.dma_semaphore, #tpu.memory_space<semaphore_mem>>) src(%arg16 : memref<256x64xf32, #tpu.memory_space<vmem>>) dst(%dma_wait3A_72 : memref<256x64xf32, #tpu.memory_space<hbm>>)
      tpu.yield
    }) : () -> ()
    "tpu.region"() ({
      %run_scoped3A = tpu.sem_alloc : memref<!tpu.dma_semaphore, #tpu.memory_space<semaphore_mem>>
      %dma_start3A_66 = arith.constant 0 : i32
      %dma_start3A_67 = tpu.memref_slice %arg18[%mul3A_0, %dma_start3A_66] : memref<4096x64xf32, #tpu.memory_space<vmem_shared>> -> memref<256x64xf32, #tpu.memory_space<vmem_shared>>
      %dma_start3A_68 = arith.constant 0 : i32
      %dma_start3A_69 = tpu.memref_slice %arg18[%mul3A_0, %dma_start3A_68] : memref<4096x64xf32, #tpu.memory_space<vmem_shared>> -> memref<256x64xf32, #tpu.memory_space<vmem_shared>>
      tpu.enqueue_dma source(%dma_start3A_69 : memref<256x64xf32, #tpu.memory_space<vmem_shared>>) target(%arg16 : memref<256x64xf32, #tpu.memory_space<vmem>>) target_semaphore(%run_scoped3A : memref<!tpu.dma_semaphore, #tpu.memory_space<semaphore_mem>>)
      %dma_wait3A = arith.constant 0 : i32
      %dma_wait3A_70 = tpu.memref_slice %arg18[%mul3A_0, %dma_wait3A] : memref<4096x64xf32, #tpu.memory_space<vmem_shared>> -> memref<256x64xf32, #tpu.memory_space<vmem_shared>>
      %dma_wait3A_71 = arith.constant 0 : i32
      %dma_wait3A_72 = tpu.memref_slice %arg18[%mul3A_0, %dma_wait3A_71] : memref<4096x64xf32, #tpu.memory_space<vmem_shared>> -> memref<256x64xf32, #tpu.memory_space<vmem_shared>>
      tpu.wait_dma2 semaphore(%run_scoped3A : memref<!tpu.dma_semaphore, #tpu.memory_space<semaphore_mem>>) src(%dma_wait3A_72 : memref<256x64xf32, #tpu.memory_space<vmem_shared>>) dst(%arg16 : memref<256x64xf32, #tpu.memory_space<vmem>>)
      tpu.yield
    }) : () -> ()
    "tpu.region"() ({
      %run_scoped3A = tpu.sem_alloc : memref<!tpu.dma_semaphore, #tpu.memory_space<semaphore_mem>>
      %dma_start3A_66 = arith.constant 0 : i32
      %dma_start3A_67 = tpu.memref_slice %arg7[%multiple_of3A_40, %dma_start3A_66] : memref<16384x64xf32, #tpu.memory_space<hbm>> -> memref<256x64xf32, #tpu.memory_space<hbm>>
      %dma_start3A_68 = arith.constant 0 : i32
      %dma_start3A_69 = tpu.memref_slice %arg7[%multiple_of3A_40, %dma_start3A_68] : memref<16384x64xf32, #tpu.memory_space<hbm>> -> memref<256x64xf32, #tpu.memory_space<hbm>>
      tpu.enqueue_dma source(%arg16 : memref<256x64xf32, #tpu.memory_space<vmem>>) target(%dma_start3A_69 : memref<256x64xf32, #tpu.memory_space<hbm>>) target_semaphore(%run_scoped3A : memref<!tpu.dma_semaphore, #tpu.memory_space<semaphore_mem>>)
      %dma_wait3A = arith.constant 0 : i32
      %dma_wait3A_70 = tpu.memref_slice %arg7[%multiple_of3A_40, %dma_wait3A] : memref<16384x64xf32, #tpu.memory_space<hbm>> -> memref<256x64xf32, #tpu.memory_space<hbm>>
      %dma_wait3A_71 = arith.constant 0 : i32
      %dma_wait3A_72 = tpu.memref_slice %arg7[%multiple_of3A_40, %dma_wait3A_71] : memref<16384x64xf32, #tpu.memory_space<hbm>> -> memref<256x64xf32, #tpu.memory_space<hbm>>
      tpu.wait_dma2 semaphore(%run_scoped3A : memref<!tpu.dma_semaphore, #tpu.memory_space<semaphore_mem>>) src(%arg16 : memref<256x64xf32, #tpu.memory_space<vmem>>) dst(%dma_wait3A_72 : memref<256x64xf32, #tpu.memory_space<hbm>>)
      tpu.yield
    }) : () -> ()
    return
  }
}

#map = affine_map<(d0, d1) -> (0, 0)>
#map1 = affine_map<(d0, d1) -> (0)>
module attributes {stable_mosaic.version = 14 : i64} {
  func.func @_user_body(%arg0: i32, %arg1: i32, %arg2: memref<1000000x64xf32, #tpu.memory_space<hbm>>, %arg3: memref<16384xi32, #tpu.memory_space<hbm>>, %arg4: memref<16384x64xf32, #tpu.memory_space<hbm>>, %arg5: memref<512xi32, #tpu.memory_space<vmem>>, %arg6: memref<128x64xf32, #tpu.memory_space<vmem>>, %arg7: memref<!tpu.dma_semaphore, #tpu.memory_space<semaphore_mem>>) attributes {dimension_semantics = [#tpu.dimension_semantics<core_parallel>, #tpu.dimension_semantics<subcore_parallel>], iteration_bounds = array<i64: 2, 16>, scalar_prefetch = 0 : i64, scratch_operands = 3 : i64, tpu.core_type = #tpu.core_type<sc_vector_subcore>, window_params = [{transform_indices = #map}, {transform_indices = #map1}, {transform_indices = #map}]} {
    %mul3A = arith.constant 8192 : i32
    %mul3A_0 = arith.muli %arg0, %mul3A : i32
    %mul3A_1 = arith.constant 512 : i32
    %mul3A_2 = arith.muli %arg1, %mul3A_1 : i32
    %add3A = arith.addi %mul3A_0, %mul3A_2 : i32
    %multiple_of3A = tpu.assume_multiple %add3A, 512 : i32
    "tpu.region"() ({
      %run_scoped3A = tpu.sem_alloc : memref<!tpu.dma_semaphore, #tpu.memory_space<semaphore_mem>>
      %dma_start3A = tpu.memref_slice %arg3[%multiple_of3A] : memref<16384xi32, #tpu.memory_space<hbm>> -> memref<512xi32, #tpu.memory_space<hbm>>
      %dma_start3A_7 = tpu.memref_slice %arg3[%multiple_of3A] : memref<16384xi32, #tpu.memory_space<hbm>> -> memref<512xi32, #tpu.memory_space<hbm>>
      tpu.enqueue_dma source(%dma_start3A_7 : memref<512xi32, #tpu.memory_space<hbm>>) target(%arg5 : memref<512xi32, #tpu.memory_space<vmem>>) target_semaphore(%run_scoped3A : memref<!tpu.dma_semaphore, #tpu.memory_space<semaphore_mem>>)
      %dma_wait3A = tpu.memref_slice %arg3[%multiple_of3A] : memref<16384xi32, #tpu.memory_space<hbm>> -> memref<512xi32, #tpu.memory_space<hbm>>
      %dma_wait3A_8 = tpu.memref_slice %arg3[%multiple_of3A] : memref<16384xi32, #tpu.memory_space<hbm>> -> memref<512xi32, #tpu.memory_space<hbm>>
      tpu.wait_dma2 semaphore(%run_scoped3A : memref<!tpu.dma_semaphore, #tpu.memory_space<semaphore_mem>>) src(%dma_wait3A_8 : memref<512xi32, #tpu.memory_space<hbm>>) dst(%arg5 : memref<512xi32, #tpu.memory_space<vmem>>)
      tpu.yield
    }) : () -> ()
    %scan3A = arith.constant 0 : i32
    %scan3A_3 = arith.constant 4 : i32
    %scan3A_4 = arith.addi %scan3A, %scan3A_3 : i32
    %scan3A_5 = arith.constant 1 : i32
    scf.for %scan3A_7 = %scan3A to %scan3A_4 step %scan3A_5  : i32 {
      %mul3A_8 = arith.constant 128 : i32
      %mul3A_9 = arith.muli %scan3A_7, %mul3A_8 : i32
      %multiple_of3A_10 = tpu.assume_multiple %mul3A_9, 128 : i32
      %dma_start3A = tpu.memref_slice %arg5[%multiple_of3A_10] : memref<512xi32, #tpu.memory_space<vmem>> -> memref<128xi32, #tpu.memory_space<vmem>>
      %dma_start3A_11 = arith.constant 0 : i32
      %dma_start3A_12 = arith.constant 0 : i32
      %dma_start3A_13 = tpu.memref_slice %arg2[%dma_start3A_11, %dma_start3A_12] : memref<1000000x64xf32, #tpu.memory_space<hbm>> -> memref<1000000x64xf32, #tpu.memory_space<hbm>>
      tpu.enqueue_indirect_dma source(%dma_start3A_13 : memref<1000000x64xf32, #tpu.memory_space<hbm>>) target(%arg6 : memref<128x64xf32, #tpu.memory_space<vmem>>) offsets(%dma_start3A : memref<128xi32, #tpu.memory_space<vmem>>) semaphore(%arg7 : memref<!tpu.dma_semaphore, #tpu.memory_space<semaphore_mem>>)
      %dma_wait3A = tpu.memref_slice %arg5[%multiple_of3A_10] : memref<512xi32, #tpu.memory_space<vmem>> -> memref<128xi32, #tpu.memory_space<vmem>>
      %dma_wait3A_14 = arith.constant 0 : i32
      %dma_wait3A_15 = arith.constant 0 : i32
      %dma_wait3A_16 = tpu.memref_slice %arg2[%dma_wait3A_14, %dma_wait3A_15] : memref<1000000x64xf32, #tpu.memory_space<hbm>> -> memref<1000000x64xf32, #tpu.memory_space<hbm>>
      tpu.wait_indirect_dma semaphore(%arg7 : memref<!tpu.dma_semaphore, #tpu.memory_space<semaphore_mem>>) src(%dma_wait3A_16 : memref<1000000x64xf32, #tpu.memory_space<hbm>>) dst(%arg6 : memref<128x64xf32, #tpu.memory_space<vmem>>)
      %add3A_17 = arith.addi %multiple_of3A, %multiple_of3A_10 : i32
      "tpu.region"() ({
        %run_scoped3A = tpu.sem_alloc : memref<!tpu.dma_semaphore, #tpu.memory_space<semaphore_mem>>
        %dma_start3A_18 = arith.constant 0 : i32
        %dma_start3A_19 = tpu.memref_slice %arg4[%add3A_17, %dma_start3A_18] : memref<16384x64xf32, #tpu.memory_space<hbm>> -> memref<128x64xf32, #tpu.memory_space<hbm>>
        %dma_start3A_20 = arith.constant 0 : i32
        %dma_start3A_21 = tpu.memref_slice %arg4[%add3A_17, %dma_start3A_20] : memref<16384x64xf32, #tpu.memory_space<hbm>> -> memref<128x64xf32, #tpu.memory_space<hbm>>
        tpu.enqueue_dma source(%arg6 : memref<128x64xf32, #tpu.memory_space<vmem>>) target(%dma_start3A_21 : memref<128x64xf32, #tpu.memory_space<hbm>>) target_semaphore(%run_scoped3A : memref<!tpu.dma_semaphore, #tpu.memory_space<semaphore_mem>>)
        %dma_wait3A_22 = arith.constant 0 : i32
        %dma_wait3A_23 = tpu.memref_slice %arg4[%add3A_17, %dma_wait3A_22] : memref<16384x64xf32, #tpu.memory_space<hbm>> -> memref<128x64xf32, #tpu.memory_space<hbm>>
        %dma_wait3A_24 = arith.constant 0 : i32
        %dma_wait3A_25 = tpu.memref_slice %arg4[%add3A_17, %dma_wait3A_24] : memref<16384x64xf32, #tpu.memory_space<hbm>> -> memref<128x64xf32, #tpu.memory_space<hbm>>
        tpu.wait_dma2 semaphore(%run_scoped3A : memref<!tpu.dma_semaphore, #tpu.memory_space<semaphore_mem>>) src(%arg6 : memref<128x64xf32, #tpu.memory_space<vmem>>) dst(%dma_wait3A_25 : memref<128x64xf32, #tpu.memory_space<hbm>>)
        tpu.yield
      }) : () -> ()
    }
    %scan3A_6 = arith.constant 4 : i32
    return
  }
}

module attributes {stable_mosaic.version = 14 : i64} {
  func.func @_tc_body(%arg0: i32, %arg1: memref<512x64xf32, #tpu.memory_space<vmem>>, %arg2: memref<512x64xf32, #tpu.memory_space<vmem>>, %arg3: memref<512x64xf32, #tpu.memory_space<vmem>>, %arg4: memref<64x64xf32, #tpu.memory_space<vmem>>, %arg5: memref<1x64xf32, #tpu.memory_space<vmem>>, %arg6: memref<512x192xf32, #tpu.memory_space<vmem>>) attributes {dimension_semantics = [#tpu.dimension_semantics<arbitrary>], iteration_bounds = array<i64: 32>, scalar_prefetch = 0 : i64, scratch_operands = 0 : i64, tpu.core_type = #tpu.core_type<tc>, window_params = [{transform_indices = @transform_0, window_bounds = array<i64: 512, 64>}, {transform_indices = @transform_1, window_bounds = array<i64: 512, 64>}, {transform_indices = @transform_2, window_bounds = array<i64: 512, 64>}, {pipeline_mode = #tpu.pipeline_mode<synchronous>, transform_indices = @transform_3, window_bounds = array<i64: 64, 64>}, {pipeline_mode = #tpu.pipeline_mode<synchronous>, transform_indices = @transform_4, window_bounds = array<i64: 1, 64>}, {transform_indices = @transform_5, window_bounds = array<i64: 512, 192>}]} {
    %get3A = arith.constant 0 : index
    %get3A_0 = arith.constant 0 : index
    %get3A_1 = vector.load %arg1[%get3A, %get3A_0] : memref<512x64xf32, #tpu.memory_space<vmem>>, vector<512x64xf32>
    %mul3A = arith.constant 2.000000e-02 : f32
    %mul3A_2 = vector.broadcast %mul3A : f32 to vector<512x64xf32>
    %mul3A_3 = arith.mulf %get3A_1, %mul3A_2 : vector<512x64xf32>
    %swap3A = arith.constant 0 : index
    %swap3A_4 = arith.constant 0 : index
    %swap3A_5 = vector.load %arg6[%swap3A, %swap3A_4] : memref<512x192xf32, #tpu.memory_space<vmem>>, vector<512x64xf32>
    tpu.vector_store %arg6[%swap3A, %swap3A_4], %mul3A_3 {strides = array<i32>} : memref<512x192xf32, #tpu.memory_space<vmem>>, vector<512x64xf32>,
    %get3A_6 = arith.constant 0 : index
    %get3A_7 = arith.constant 0 : index
    %get3A_8 = vector.load %arg2[%get3A_6, %get3A_7] : memref<512x64xf32, #tpu.memory_space<vmem>>, vector<512x64xf32>
    %mul3A_9 = arith.constant 2.000000e-02 : f32
    %mul3A_10 = vector.broadcast %mul3A_9 : f32 to vector<512x64xf32>
    %mul3A_11 = arith.mulf %get3A_8, %mul3A_10 : vector<512x64xf32>
    %swap3A_12 = arith.constant 0 : index
    %swap3A_13 = arith.constant 64 : index
    %swap3A_14 = vector.load %arg6[%swap3A_12, %swap3A_13] : memref<512x192xf32, #tpu.memory_space<vmem>>, vector<512x64xf32>
    tpu.vector_store %arg6[%swap3A_12, %swap3A_13], %mul3A_11 {strides = array<i32>} : memref<512x192xf32, #tpu.memory_space<vmem>>, vector<512x64xf32>,
    %get3A_15 = arith.constant 0 : index
    %get3A_16 = arith.constant 0 : index
    %get3A_17 = vector.load %arg3[%get3A_15, %get3A_16] : memref<512x64xf32, #tpu.memory_space<vmem>>, vector<512x64xf32>
    %get3A_18 = arith.constant 0 : index
    %get3A_19 = arith.constant 0 : index
    %get3A_20 = vector.load %arg4[%get3A_18, %get3A_19] : memref<64x64xf32, #tpu.memory_space<vmem>>, vector<64x64xf32>
    %dot_general3A = arith.constant dense<0.000000e+00> : vector<512x64xf32>
    %dot_general3A_21 = tpu.matmul %get3A_17, %get3A_20, %dot_general3A {dimension_numbers = #tpu.dot_dimension_numbers<[1], [0], [0], [1], [0, 0, 1, 1], [], []>, transpose_lhs_hint = false} : vector<512x64xf32>, vector<64x64xf32>, vector<512x64xf32> -> vector<512x64xf32>
    %get3A_22 = arith.constant 0 : index
    %get3A_23 = arith.constant 0 : index
    %get3A_24 = vector.load %arg5[%get3A_22, %get3A_23] : memref<1x64xf32, #tpu.memory_space<vmem>>, vector<1x64xf32>
    %add3A = vector.broadcast %get3A_24 : vector<1x64xf32> to vector<512x64xf32>
    %add3A_25 = arith.addf %dot_general3A_21, %add3A : vector<512x64xf32>
    %swap3A_26 = arith.constant 0 : index
    %swap3A_27 = arith.constant 128 : index
    %swap3A_28 = vector.load %arg6[%swap3A_26, %swap3A_27] : memref<512x192xf32, #tpu.memory_space<vmem>>, vector<512x64xf32>
    tpu.vector_store %arg6[%swap3A_26, %swap3A_27], %add3A_25 {strides = array<i32>} : memref<512x192xf32, #tpu.memory_space<vmem>>, vector<512x64xf32>,
    return
  }
  func.func @transform_0(%arg0: i32) -> (i32, i32) {
    %c0_i32 = arith.constant 0 : i32
    %c0_i32_0 = arith.constant 0 : i32
    return %arg0, %c0_i32 : i32, i32
  }
  func.func @transform_1(%arg0: i32) -> (i32, i32) {
    %c0_i32 = arith.constant 0 : i32
    %c0_i32_0 = arith.constant 0 : i32
    return %arg0, %c0_i32 : i32, i32
  }
  func.func @transform_2(%arg0: i32) -> (i32, i32) {
    %c0_i32 = arith.constant 0 : i32
    %c0_i32_0 = arith.constant 0 : i32
    return %arg0, %c0_i32 : i32, i32
  }
  func.func @transform_3(%arg0: i32) -> (i32, i32) {
    %c0_i32 = arith.constant 0 : i32
    %c0_i32_0 = arith.constant 0 : i32
    %c0_i32_1 = arith.constant 0 : i32
    return %c0_i32, %c0_i32_0 : i32, i32
  }
  func.func @transform_4(%arg0: i32) -> (i32, i32) {
    %c0_i32 = arith.constant 0 : i32
    %c0_i32_0 = arith.constant 0 : i32
    %c0_i32_1 = arith.constant 0 : i32
    return %c0_i32, %c0_i32_0 : i32, i32
  }
  func.func @transform_5(%arg0: i32) -> (i32, i32) {
    %c0_i32 = arith.constant 0 : i32
    %c0_i32_0 = arith.constant 0 : i32
    return %arg0, %c0_i32 : i32, i32
  }
}

</mosaic_0001>

<sc_bundles>
// kernel: kernel.5.cloned.1.call-start
scs
__scs_entry_jumppad:
0x0: {  	(pc) =	sbr.rel $0x88, $3  }
0x1: {  	(tag) =	ssettag $0x0;
	lr =	simm.s32 $0x1  }
0x2: {  	[smem:$0x3F99] =	sst lr;
	_ =	strace $0xD0000000  }
0x3: {  	_ = 	snop  }
0x4: {  	_ = 	snop  }
0x5: {  	_ = 	snop  }
0x6: {  	_ = 	snop  }
0x7: {  	_ = 	snop  }
__scs_overlays_trampoline_lowered:
0x8: {  	[smem:$0x3FA8] =	sst s0  }
0x9: {  	[smem:$0x3FA9] =	sst s1  }
0xa: {  	[smem:$0x3FAA] =	sst s2  }
0xb: {  	[smem:$0x3FAB] =	sst s3  }
0xc: {  	[smem:$0x3FAC] =	sst s4  }
0xd: {  	[smem:$0x3FAD] =	sst s5  }
0xe: {  	[smem:$0x3FAE] =	sst s6  }
0xf: {  	[smem:$0x3FAF] =	sst s7  }
0x10: {  	[smem:$0x3FB0] =	sst s8  }
0x11: {  	[smem:$0x3FB1] =	sst s9;
	s0 =	simm.s32 @!p0 $0x0  }
0x12: {  	s1 =	sld [smem:$0x3F97];
	s0 =	simm.s32 @p0 $0x1  }
0x13: {  	[smem:$0x3FB2] =	sst s0;
	s0 =	simm.s32 @!p1 $0x0  }
0x14: {  	s2 =	sld [smem:$0x3F96];
	s0 =	simm.s32 @p1 $0x1  }
0x15: {  	[smem:$0x3FB3] =	sst s0;
	s0 =	simm.s32 @!p2 $0x0  }
0x16: {  	s3 =	sld [smem:$0x3FDB];
	s0 =	simm.s32 @p2 $0x1  }
0x17: {  	s4 =	simm.s32 $0x1BF5;
	[smem:$0x3FB5] =	sst s0  }
0x18: {  	s0 =	sld [smem:$0x3F98];
	_ =	swait.ge [sflag:s4], $0x0  }
0x19: {  	s7 =	sld [smem:$0x3F99]  }
0x1a: {  	s8 =	sadd.s32 $0xFFFFE003, lr  }
0x1b: {  	s9 =	sadd.s32 $0xFFFFFEF7, lr;
	s5 =	simm.s32 $0xFFFFFFFF;
	p2 =	slt.u32 s8, $0xFFFFF086  }
0x1c: {  	p1 =	slt.u32 s9, $0xF7A;
	s5 =	simm.s32 @!p2 $0x0  }
0x1d: {  	s5 =	simm.s32 @p1 $0x1;
	p0 =	seq.s32 s7, s2  }
0x1e: {  	s7 =	smul.u32 @!p0 $0xF7A, s2;
	p2 =	seq.s32 @!p0 s5, $0x0  }
0x1f: {  	s9 =	smul.u32 $0xF7A, s1;
	s8 =	simm.s32 @!p0 $0x1BF5;
	p2 =	por !p2, p0  }
0x20: {  	[sflag:s8] =	ssyncset.s32 @!p0 $0xFFFFF086;
	s6 =	sadd.s32 @!p0 s3, s7;
	s7 =	simm.s32 @!p0 $0x108  }
0x21: {  	s3 =	sadd.s32 s3, s9;
	s6 =	sadd.s32 @!p0 $0x88, s6;
	s7 =	simm.s32 @p2 $0x1082  }
0x22: {  	[simem:s7], [sflag:s8] =	dma.local @!p0 [hbm:s6], $0xF7A  }
0x23: {  	s9 =	sor.u32 $0xD0000000, s2;
	s6 =	simm.s32 $0x108;
	_ =	swait.ge @!p0 [sflag:s8], $0x0  }
0x24: {  	s3 =	sadd.s32 $0x88, s3;
	s6 =	simm.s32 @!p1 $0x1082;
	[sflag:s4] =	ssyncset.s32 $0xFFFFF086  }
0x25: {  	[simem:s6], [sflag:s4] =	dma.local [hbm:s3], $0xF7A  }
0x26: {  	[smem:$0x3F99] =	sst s1;
	(tag) =	ssettag s2;
	_ =	strace s9  }
0x27: {  	s1 =	sld [smem:$0x3FA9]  }
0x28: {  	s2 =	sld [smem:$0x3FAA]  }
0x29: {  	s4 =	sld [smem:$0x3FAC]  }
0x2a: {  	p0 =	seq.s32 s5, $0x0;
	s5 =	sld [smem:$0x3FAD]  }
0x2b: {  	s6 =	sld [smem:$0x3FAE]  }
0x2c: {  	s7 =	sld [smem:$0x3FAF]  }
0x2d: {  	s3 =	simm.s32 $0x108;
	s8 =	sld [smem:$0x3FB0]  }
0x2e: {  	s3 =	simm.s32 @!p0 $0x1082;
	s9 =	sld [smem:$0x3FB1]  }
0x2f: {  	lr =	sadd.s32 s0, s3;
	s0 =	sld [smem:$0x3FA8]  }
0x30: {  	s3 =	sld [smem:$0x3FAB]  }
0x31: {  	[smem:$0x3FB4] =	sst s10  }
0x32: {  	s10 =	sld [smem:$0x3FB2];
	_ =	sdelay $0x3  }
0x33: {  	p0 =	seq.s32 s10, $0x1;
	s10 =	sld [smem:$0x3FB4];
	_ =	sdelay $0x3  }
0x34: {  	[smem:$0x3FB4] =	sst s10  }
0x35: {  	s10 =	sld [smem:$0x3FB3];
	_ =	sdelay $0x3  }
0x36: {  	p1 =	seq.s32 s10, $0x1;
	s10 =	sld [smem:$0x3FB4];
	_ =	sdelay $0x3  }
0x37: {  	[smem:$0x3FB4] =	sst s10  }
0x38: {  	s10 =	sld [smem:$0x3FB5]  }
0x39: {  	_ = 	snop;
	(pc) =	sbr.ind lr, $3  }
0x3a: {  	_ = 	snop  }
0x3b: {  	_ = 	snop  }
0x3c: {  	p2 =	seq.s32 s10, $0x1;
	s10 =	sld [smem:$0x3FB4]  }
0x3d: {  	_ =	shalt  }
0x3e: {  	_ =	shalt  }
0x3f: {  	_ =	shalt  }
0x40: {  	_ =	shalt  }
0x41: {  	_ =	shalt  }
0x42: {  	_ =	shalt  }
0x43: {  	_ =	shalt  }
0x44: {  	_ =	shalt  }
0x45: {  	_ =	shalt  }
0x46: {  	_ =	shalt  }
0x47: {  	_ =	shalt  }
0x48: {  	_ =	shalt  }
0x49: {  	_ =	shalt  }
0x4a: {  	_ =	shalt  }
0x4b: {  	_ =	shalt  }
0x4c: {  	_ =	shalt  }
0x4d: {  	_ =	shalt  }
0x4e: {  	_ =	shalt  }
0x4f: {  	_ =	shalt  }
0x50: {  	_ =	shalt  }
0x51: {  	_ =	shalt  }
0x52: {  	_ =	shalt  }
0x53: {  	_ =	shalt  }
0x54: {  	_ =	shalt  }
0x55: {  	_ =	shalt  }
0x56: {  	_ =	shalt  }
0x57: {  	_ =	shalt  }
0x58: {  	_ =	shalt  }
0x59: {  	_ =	shalt  }
0x5a: {  	_ =	shalt  }
0x5b: {  	_ =	shalt  }
0x5c: {  	_ =	shalt  }
0x5d: {  	_ =	shalt  }
0x5e: {  	_ =	shalt  }
0x5f: {  	_ =	shalt  }
0x60: {  	_ =	shalt  }
0x61: {  	_ =	shalt  }
0x62: {  	_ =	shalt  }
0x63: {  	_ =	shalt  }
0x64: {  	_ =	shalt  }
0x65: {  	_ =	shalt  }
0x66: {  	_ =	shalt  }
0x67: {  	_ =	shalt  }
0x68: {  	_ =	shalt  }
0x69: {  	_ =	shalt  }
0x6a: {  	_ =	shalt  }
0x6b: {  	_ =	shalt  }
0x6c: {  	_ =	shalt  }
0x6d: {  	_ =	shalt  }
0x6e: {  	_ =	shalt  }
0x6f: {  	_ =	shalt  }
0x70: {  	_ =	shalt  }
0x71: {  	_ =	shalt  }
0x72: {  	_ =	shalt  }
0x73: {  	_ =	shalt  }
0x74: {  	_ =	shalt  }
0x75: {  	_ =	shalt  }
0x76: {  	_ =	shalt  }
0x77: {  	_ =	shalt  }
0x78: {  	_ =	shalt  }
0x79: {  	_ =	shalt  }
0x7a: {  	_ =	shalt  }
0x7b: {  	_ =	shalt  }
0x7c: {  	_ =	shalt  }
0x7d: {  	_ =	shalt  }
0x7e: {  	_ =	shalt  }
0x7f: {  	_ =	shalt  }
0x80: {  	_ =	shalt  }
0x81: {  	_ =	shalt  }
0x82: {  	_ =	shalt  }
0x83: {  	_ =	shalt  }
0x84: {  	_ =	shalt  }
0x85: {  	_ =	shalt  }
0x86: {  	_ =	shalt  }
0x87: {  	_ =	shalt  }
.Lfunc_end0:
.L_simem_size_0:
called_computation_lowered:
.L_overlay_start_0:
0x88: {  	s2 =	sld [smem:$0x3FD9]  }
0x89: {  	s3 =	sld [smem:$0x3FFE];
	_ =	sdelay $0x1  }
0x8a: {  	s1 =	srdreg.scid  }
0x8b: {  	s0 =	sand.u32 $0x1, s1  }
0x8c: {  	s17 =	sshll.u32 s0, $0xA;
	s2 =	sadd.s32 s3, s2  }
0x8d: {  	s2 =	sadd.s32 s2, s17  }
0x8e: {  	[smem:$0x3FC0] =	sst s2  }
0x8f: {  	_ = 	snop  }
0x90: {  	s2 =	sld [smem:$0x3FD0];
	(tm) =	ssettm $0x1  }
0x91: {  	s18 =	sld [smem:$0x3FFB];
	_ =	sdelay $0x3  }
0x92: {  	_ =	strace s18  }
0x93: {  	s3 =	sld [smem:$0x3FFC];
	_ =	sdelay $0x3  }
0x94: {  	_ =	strace s3  }
0x95: {  	s3 =	sld [smem:$0x3FFD];
	_ =	sdelay $0x3  }
0x96: {  	_ =	strace s3  }
0x97: {  	_ =	strace $0x8FFFFFFF  }
0x98: {  	s19 =	sld [smem:$0x3FDB];
	_ =	sdelay $0x1  }
0x99: {  	s4 =	simm.s32 $_scs_section_size  }
0x9a: {  	s5 =	simm.s32 $_size__tile_overlayer_lowered;
	s6 =	simm.s32 $_tile_overlayer_lowered  }
0x9b: {  	s22 =	simm.s32 $0x1BFF;
	s21 =	sshll.u32 s6, $0x1;
	s3 =	sadd.s32 s4, s19  }
0x9c: {  	s7 =	simm.s32 $0x0;
	s20 =	sshll.u32 s5, $0x1;
	s5 =	sadd.s32 s21, s3  }
0x9d: {  	[timem:s7], [sflag:s22] =	dma.local [hbm:s5], s20  }
0x9e: {  	_ =	swait.ge [sflag:s22], s20  }
0x9f: {  	s4 =	ssub.s32 $0x0, s20;
	[sflag:s22] =	ssyncset.done $0x0  }
0xa0: {  	[sflag:s22] =	ssyncadd.s32 s4;
	_ =	sdelay $0x1  }
0xa1: {  	s23 =	simm.s32 $0x1B8B  }
0xa2: {  	_ =	swait.ge [sflag:s23], $0x1  }
0xa3: {  	[sflag:s23] =	ssyncset.done $0x0  }
0xa4: {  	s25 =	simm.s32 $0x1B8E;
	s24 =	sld [smem:$0x3FFE];
	[sflag:s23] =	ssyncadd.s32 $0xFFFFFFFF  }
0xa5: {  	s26 =	simm.s32 $execute0_lowered;
	[smem:$0x3FD2] =	sst s25  }
0xa6: {  	s5 =	sshll.u32 s26, $0x1;
	_ =	strace $0x80000046;
	[dreg:$0x1] =	wrdreg $0xFFFFFFFF  }
0xa7: {  	s28 =	simm.s32 $_size_execute0_lowered;
	s3 =	sadd.s32 s3, s5;
	[dreg:$0x0] =	wrdreg $0x0  }
0xa8: {  	s5 =	sshll.u32 s28, $0x1;
	[dreg:$0x2] =	wrdreg s3  }
0xa9: {  	[dreg:$0x3] =	wrdreg s5  }
0xaa: {  	[dreg:$0x4] =	wrdreg $0xC0  }
0xab: {  	_ =	task [dreg:s7], $0x5FFFF  }
0xac: {  	[dreg:$0x1] =	wrdreg $0xFFFFFFFF  }
0xad: {  	[dreg:$0x0] =	wrdreg $0x60  }
0xae: {  	[dreg:$0x2] =	wrdreg s24  }
0xaf: {  	[dreg:$0x3] =	wrdreg s2  }
0xb0: {  	[dreg:$0x4] =	wrdreg $0x125000  }
0xb1: {  	[dreg:$0x5] =	wrdreg $0x165000  }
0xb2: {  	[dreg:$0x6] =	wrdreg $0x9  }
0xb3: {  	_ =	task.clear_ibuf [dreg:s7], $0x7FFFF;
	_ =	strace $0x90000046  }
0xb4: {  	s29 =	simm.s32 $0x9;
	_ =	strace $0x80000048  }
0xb5: {  	_ =	swait.ge [sflag:s29], $0x1  }
0xb6: {  	[sflag:s29] =	ssyncadd.s32 $0xFFFFFFFF  }
0xb7: {  	_ =	strace $0x90000048  }
0xb8: {  	_ =	sfence  }
0xb9: {  	s30 =	sld [smem:$0x0];
	_ =	sdelay $0x2  }
0xba: {  	s31 =	sshll.u32 s1, $0xD;
	s1 =	sshrl.u32 s1, $0x2  }
0xbb: {  	s3 =	sand.u32 $0x4000, s31;
	s1 =	sadd.s32 s1, s30  }
0xbc: {  	s0 =	sor.u32 s3, s0;
	s1 =	sshll.u32 s1, $0x11  }
0xbd: {  	s0 =	sor.u32 s1, s0  }
0xbe: {  	s0 =	sadd.s32 $0x8F2B, s0  }
0xbf: {  	[sflag:s0] =	ssyncadd.remote.s32 $0x1  }
0xc0: {  	_ =	sfence.sel $0xFFFF  }
0xc1: {  	[dreg:$0x0] =	wrdreg $0xFFFFFFFF;
	(pc) =	sbr.abs _section_cstart, $3  }
0xc2: {  	[dreg:$0x1] =	wrdreg $0xFFFFFFFF  }
0xc3: {  	_ =	task.clear_ibuf [dreg:s7], $0x2FFFF;
	_ =	strace $0x9FFFFFFF  }
0xc4: {  	(tm) =	ssettm $0x7FFFFFFF  }
0xc5: {  	_ =	shalt  }
tec
execute0_lowered:
.L_overlay_start_1:
0x0: {  	(tag) =	ssettag $0x1  }
0x1: {  	s0 =	rddreg [dreg:$0x0]  }
0x2: {  	s3 =	rddreg [dreg:$0x1]  }
0x3: {  	s1 =	rddreg [dreg:$0x2]  }
0x4: {  	s2 =	rddreg [dreg:$0x3];
	s4 =	simm.s32 $0x0;
	s20 =	srdreg.scid  }
0x5: {  	s8 =	stileid.u32;
	s18 =	simm.s32 $0xE500;
	s19 =	simm.s32 $0x5  }
0x6: {  	s28 =	simm.s32 $0x6400;
	s29 =	simm.s32 $0x3;
	s30 =	simm.s32 $0x2  }
0x7: {  	s31 =	simm.s32 $0x6480;
	[smem:$0x7FF] =	sst s4;
	s5 =	sadd.s32 $0x5600, s0  }
0x8: {  	s6 =	sadd.s32 $0x1600, s0;
	s9 =	sadd.s32 $0xD600, s0;
	s4 =	sand.u32 $0x1, s20  }
0x9: {  	s10 =	sadd.s32 $0x26600, s0;
	s11 =	sshll.u32 s8, $0x8;
	s0 =	sadd.s32 $0x3F600, s0  }
0xa: {  	s8 =	sshll.u32 s8, $0xE;
	s7 =	sshll.u32 s4, $0xD;
	s4 =	ssub.s32 $0x2, s4  }
0xb: {  	_ =	strace $0x80000047;
	s12 =	sor.u32 s11, s7;
	s21 =	sshrl.u32 s4, $0x1  }
0xc: {  	s7 =	sadd.s32 s8, s1;
	s8 =	sadd.s32 s8, s2;
	s13 =	smul.u32 $0x32, s12  }
0xd: {  	s4 =	ssub.s32 s4, s21;
	s14 =	sor.u32 $0x1000, s12;
	s12 =	sshll.u32 s12, $0x3  }
0xe: {  	s21 =	simm.s32 $0x80;
	s15 =	smul.u32 $0x32, s14;
	s22 =	sadd.s32 s3, s12  }
0xf: {  	s12 =	sadd.s32 s0, s12;
	s25 =	sshll.u32 s14, $0x3;
	[dreg:$0x7] =	wrdreg s22  }
0x10: {  	s26 =	smax.u32 s4, $0x1;
	s4 =	simm.s32 $0x0;
	[dreg:$0x8] =	wrdreg s12  }
0x11: {  	s13 =	sshrl.u32 s13, $0x3;
	s3 =	sadd.s32 s3, s25;
	[dreg:$0xd] =	wrdreg s26  }
0x12: {  	s0 =	sadd.s32 s0, s25;
	s22 =	simm.s32 $0x6500;
	[dreg:$0xb] =	wrdreg s3  }
0x13: {  	s25 =	simm.s32 $0xC500;
	s16 =	sadd.s32 s9, s13;
	[dreg:$0xc] =	wrdreg s0  }
0x14: {  	s13 =	sadd.s32 s10, s13;
	s23 =	sshrl.u32 s15, $0x3;
	[dreg:$0x5] =	wrdreg s16  }
0x15: {  	s26 =	simm.s32 $0x1;
	[dreg:$0x6] =	wrdreg s13;
	s9 =	sadd.s32 s9, s23  }
0x16: {  	s0 =	simm.s32 $0x4;
	s24 =	sadd.s32 s10, s23;
	[dreg:$0x9] =	wrdreg s9  }
0x17: {  	v1 =	vimm.f32 $0.0e+00;
	v2 =	vlaneseq.u32;
	v0 =	vmov s11;
	s23 =	simm.s32 $0xA500;
	[dreg:$0xa] =	wrdreg s24;
	s24 =	simm.s32 $0x8500  }
.LBB2_1:
0x18: {  	s9 =	simm.s32 $0x100;
	s3 =	simm.s32 $0x0  }
.LBB2_2:
0x19: {  	p0 =	sne.s32 s9, $0xFF00;
	[tilespmem:s3+$0xE530] =	vst v1;
	s10 =	smov.u32 s9;
	s9 =	sadd.s32 $0x100, s9  }
.Ltmp0:
0x1a: {  	[tilespmem:s3+$0xE520] =	vst v1;
	(pc) =	sbr.rel @p0 .LBB2_2-.Ltmp0, $3  }
0x1b: {  	[tilespmem:s3+$0xE500] =	vst v1  }
0x1c: {  	[tilespmem:s3+$0xE510] =	vst v1;
	_ =	sdelay $0x1  }
0x1d: {  	s3 =	sshra.s32 s10, $0x2  }
0x1e: {  	[tilespmem:s3+$0xE530] =	vst v1  }
0x1f: {  	[tilespmem:s3+$0xE520] =	vst v1  }
0x20: {  	[tilespmem:s3+$0xE500] =	vst v1  }
0x21: {  	[tilespmem:s3+$0xE510] =	vst v1  }
0x22: {  	[spmem:s7] =	stream.linear.scatter [tilespmem:s18], [sflag:$0x5], $0x4000, $0x38;
	[tilespmem:$0x1A500] =	vst v63  }
0x23: {  	_ =	swait.ge [sflag:s19], $0x4000  }
0x24: {  	[sflag:s19] =	ssyncset.done $0x0  }
0x25: {  	[sflag:s19] =	ssyncadd.s32 $0xFFFFC000  }
0x26: {  	[spmem:s8] =	stream.linear.scatter [tilespmem:s18], [sflag:$0x5], $0x4000, $0x38;
	[tilespmem:$0x1A500] =	vst v63  }
0x27: {  	_ =	swait.ge [sflag:s19], $0x4000  }
0x28: {  	[sflag:s19] =	ssyncset.done $0x0  }
0x29: {  	s3 =	simm.s32 $0x0;
	s9 =	rddreg [dreg:$0x5];
	[sflag:s19] =	ssyncadd.s32 $0xFFFFC000  }
0x2a: {  	[tilespmem:s3], [sflag:$0x5] =	stream.linear.gather [hbm4b:s9+s3], $0x3200, $0x38;
	[tilespmem:$0x1A500] =	vst v63  }
0x2b: {  	_ =	swait.ge [sflag:s19], $0x3200  }
0x2c: {  	[sflag:s19] =	ssyncset.done $0x0  }
0x2d: {  	s10 =	simm.s32 $0x3200;
	s20 =	rddreg [dreg:$0x6];
	[sflag:s19] =	ssyncadd.s32 $0xFFFFCE00  }
0x2e: {  	[tilespmem:s10], [sflag:$0x5] =	stream.linear.gather [hbm4b:s20+s3], $0x3200, $0x38;
	[tilespmem:$0x1A500] =	vst v63  }
0x2f: {  	_ =	swait.ge [sflag:s19], $0x3200  }
0x30: {  	[sflag:s19] =	ssyncset.done $0x0  }
0x31: {  	[sflag:s19] =	ssyncadd.s32 $0xFFFFCE00  }
0x32: {  	[tilespmem:s22], [sflag:$0x1] =	stream.indirect.gather [hbm4b:s5+s21], $0x40, s3, s21, $0xb8;
	[tilespmem:$0x1A500] =	vst v63  }
0x33: {  	s11 =	simm.s32 $0x40;
	s13 =	simm.s32 $0x60  }
0x34: {  	v4 =	vor.u32 s11, v2;
	[tilespmem:s23], [sflag:$0x3] =	stream.indirect.gather [hbm4b:s6+s21], $0x40, s10, s21, $0xb8;
	[tilespmem:$0x1A500] =	vst v63  }
0x35: {  	s12 =	simm.s32 $0x10;
	s14 =	simm.s32 $0x20;
	v6 =	vor.u32 s13, v2;
	v4 =	vmulhi.u32 $0x51EB851F, v4;
	s10 =	simm.s32 $0x70  }
0x36: {  	s15 =	simm.s32 $0x80;
	s16 =	simm.s32 $0x50;
	s11 =	simm.s32 $0x30;
	v5 =	vor.u32 s12, v2;
	v6 =	vmulhi.u32 $0x51EB851F, v6;
	v3 =	vor.u32 s10, v2  }
0x37: {  	v8 =	vor.u32 s14, v2;
	v7 =	vor.u32 s11, v2;
	v3 =	vmulhi.u32 $0x51EB851F, v3;
	[tilespmem:s24], [sflag:$0x2] =	stream.indirect.gather [hbm4b:s5+s21], $0x40, s15, s21, $0xb8;
	[tilespmem:$0x1A500] =	vst v63  }
0x38: {  	s17 =	simm.s32 $0x3280;
	v9 =	vor.u32 s16, v2;
	v7 =	vmulhi.u32 $0x51EB851F, v7;
	v6 =	vshrl.u32 v6, $0x4  }
0x39: {  	v9 =	vmulhi.u32 $0x51EB851F, v9;
	v6 =	vadd.s32 v0, v6;
	v3 =	vshrl.u32 v3, $0x4;
	[tilespmem:s25], [sflag:$0x4] =	stream.indirect.gather [hbm4b:s6+s21], $0x40, s17, s21, $0xb8;
	[tilespmem:$0x1A500] =	vst v63  }
0x3a: {  	v4 =	vshrl.u32 v4, $0x4;
	v7 =	vshrl.u32 v7, $0x4;
	v3 =	vadd.s32 v0, v3;
	[tilespmem:$0x6460] =	vst v6  }
0x3b: {  	v7 =	vadd.s32 v0, v7;
	[tilespmem:$0x6470] =	vst v3;
	v3 =	vmulhi.u32 $0x51EB851F, v8;
	v8 =	vor.u32 s3, v2  }
0x3c: {  	v4 =	vadd.s32 v0, v4;
	v6 =	vshrl.u32 v9, $0x4;
	[tilespmem:$0x6430] =	vst v7;
	v8 =	vmulhi.u32 $0x51EB851F, v8  }
0x3d: {  	v5 =	vmulhi.u32 $0x51EB851F, v5;
	[tilespmem:$0x6440] =	vst v4;
	v6 =	vadd.s32 v0, v6;
	v3 =	vshrl.u32 v3, $0x4  }
0x3e: {  	[tilespmem:$0x6450] =	vst v6;
	v3 =	vadd.s32 v0, v3;
	v4 =	vshrl.u32 v8, $0x4  }
0x3f: {  	v5 =	vshrl.u32 v5, $0x4;
	v4 =	vadd.s32 v0, v4;
	[tilespmem:$0x6420] =	vst v3  }
0x40: {  	v3 =	vadd.s32 v0, v5;
	[tilespmem:$0x6400] =	vst v4  }
0x41: {  	[tilespmem:$0x6410] =	vst v3  }
0x42: {  	_ =	swait.ge [sflag:s26], $0x2000  }
0x43: {  	[sflag:s26] =	ssyncset.done $0x0  }
0x44: {  	s12 =	simm.s32 $0xB0;
	s17 =	simm.s32 $0x140;
	[sflag:s26] =	ssyncadd.s32 $0xFFFFE000  }
0x45: {  	v7 =	vor.u32 s12, v2;
	[spmem:s1] =	stream.indirect.scatter.add.f32 [tilespmem:s22], [sflag:$0x5], $0x40, s28, s21, $0xb8;
	[tilespmem:$0x1A500] =	vst v63  }
0x46: {  	s11 =	simm.s32 $0xC0;
	v12 =	vor.u32 s17, v2;
	v7 =	vmulhi.u32 $0x51EB851F, v7;
	_ =	swait.ge [sflag:s19], $0x2000  }
0x47: {  	s10 =	simm.s32 $0xE0;
	v12 =	vmulhi.u32 $0x51EB851F, v12;
	v6 =	vor.u32 s11, v2;
	[sflag:s19] =	ssyncset.done $0x0  }
0x48: {  	s20 =	simm.s32 $0x90;
	v6 =	vmulhi.u32 $0x51EB851F, v6;
	v5 =	vor.u32 s10, v2;
	[sflag:s19] =	ssyncadd.s32 $0xFFFFE000  }
0x49: {  	s9 =	simm.s32 $0xD0;
	v3 =	vor.u32 s20, v2;
	v5 =	vmulhi.u32 $0x51EB851F, v5;
	_ =	swait.ge [sflag:s29], $0x2000  }
0x4a: {  	s13 =	simm.s32 $0xA0;
	v4 =	vor.u32 s9, v2;
	v3 =	vmulhi.u32 $0x51EB851F, v3;
	[sflag:s29] =	ssyncset.done $0x0  }
0x4b: {  	p0 =	por $0x0, $0x0;
	s14 =	simm.s32 $0x80;
	v8 =	vor.u32 s13, v2;
	v6 =	vshrl.u32 v6, $0x4;
	v4 =	vmulhi.u32 $0x51EB851F, v4;
	[sflag:s29] =	ssyncadd.s32 $0xFFFFE000  }
0x4c: {  	v11 =	vadd.s32 v0, v6;
	v6 =	vmulhi.u32 $0x51EB851F, v8;
	[spmem:s2] =	stream.indirect.scatter.add.f32 [tilespmem:s23], [sflag:$0x5], $0x40, s28, s21, $0xb8;
	[tilespmem:$0x1A500] =	vst v63  }
0x4d: {  	s16 =	simm.s32 $0xF0;
	s12 =	simm.s32 @!p0 $0x80;
	v5 =	vshrl.u32 v5, $0x4;
	v3 =	vshrl.u32 v3, $0x4;
	v4 =	vshrl.u32 v4, $0x4;
	_ =	swait.ge [sflag:s19], $0x2000  }
0x4e: {  	s17 =	simm.s32 $0x1C0;
	s13 =	simm.s32 @!p0 $0x6500;
	v9 =	vadd.s32 v0, v5;
	v5 =	vor.u32 s14, v2;
	v10 =	vadd.s32 v0, v4;
	[sflag:s19] =	ssyncset.done $0x0  }
0x4f: {  	s10 =	simm.s32 $0x100;
	s20 =	simm.s32 $0x130;
	v4 =	vmulhi.u32 $0x51EB851F, v5;
	v8 =	vadd.s32 v0, v3;
	v3 =	vor.u32 s16, v2;
	[sflag:s19] =	ssyncadd.s32 $0xFFFFE000  }
0x50: {  	v15 =	vor.u32 s17, v2;
	v13 =	vor.u32 s20, v2;
	v3 =	vmulhi.u32 $0x51EB851F, v3;
	[tilespmem:s13], [sflag:$0x1] =	stream.indirect.gather @!p0 [hbm4b:s5+s12], $0x40, s10, s12, $0xb8;
	[tilespmem:$0x1A500] =	vst v63  }
0x51: {  	s15 =	simm.s32 $0x170;
	s3 =	simm.s32 $0x3300;
	s9 =	simm.s32 @!p0 $0xA500;
	v13 =	vmulhi.u32 $0x51EB851F, v13;
	v5 =	vshrl.u32 v7, $0x4;
	v4 =	vshrl.u32 v4, $0x4  }
0x52: {  	v7 =	vor.u32 s15, v2;
	v4 =	vadd.s32 v0, v4;
	v3 =	vshrl.u32 v3, $0x4;
	[tilespmem:s9], [sflag:$0x3] =	stream.indirect.gather @!p0 [hbm4b:s6+s12], $0x40, s3, s12, $0xb8;
	[tilespmem:$0x1A500] =	vst v63  }
0x53: {  	v6 =	vshrl.u32 v6, $0x4;
	v7 =	vmulhi.u32 $0x51EB851F, v7;
	v3 =	vadd.s32 v0, v3;
	s9 =	simm.s32 $0x110;
	[tilespmem:$0x6480] =	vst v4  }
0x54: {  	v6 =	vadd.s32 v0, v6;
	v5 =	vadd.s32 v0, v5;
	s10 =	simm.s32 $0x120;
	v4 =	vor.u32 s9, v2;
	[tilespmem:$0x64F0] =	vst v3  }
0x55: {  	v14 =	vor.u32 s10, v2;
	v3 =	vshrl.u32 v7, $0x4;
	[tilespmem:$0x64B0] =	vst v5;
	v7 =	vmulhi.u32 $0x51EB851F, v4  }
0x56: {  	s12 =	simm.s32 $0x150;
	[tilespmem:$0x64E0] =	vst v9;
	v4 =	vshrl.u32 v12, $0x4;
	v5 =	vadd.s32 v0, v3;
	v3 =	vmulhi.u32 $0x51EB851F, v14  }
0x57: {  	[tilespmem:$0x64D0] =	vst v10;
	v12 =	vshrl.u32 v13, $0x4;
	v13 =	vor.u32 s12, v2;
	v4 =	vadd.s32 v0, v4  }
0x58: {  	s13 =	simm.s32 $0x160;
	[tilespmem:$0x64A0] =	vst v6;
	v9 =	vshrl.u32 v7, $0x4;
	v7 =	vadd.s32 v0, v12;
	v10 =	vshrl.u32 v3, $0x4  }
0x59: {  	s15 =	simm.s32 $0x1D0;
	[tilespmem:$0x6490] =	vst v8;
	v12 =	vmulhi.u32 $0x51EB851F, v13;
	v3 =	vadd.s32 v0, v9;
	v9 =	vor.u32 s13, v2  }
0x5a: {  	s3 =	simm.s32 $0x100;
	[tilespmem:$0x64C0] =	vst v11;
	v13 =	vor.u32 s15, v2;
	v6 =	vadd.s32 v0, v10;
	v9 =	vmulhi.u32 $0x51EB851F, v9  }
0x5b: {  	s14 =	simm.s32 $0x190;
	_ =	swait.ge [sflag:s30], $0x2000;
	v10 =	vor.u32 s3, v2;
	v13 =	vmulhi.u32 $0x51EB851F, v13;
	v8 =	vshrl.u32 v12, $0x4  }
0x5c: {  	s11 =	simm.s32 $0x200;
	s16 =	simm.s32 $0x1E0;
	[sflag:s30] =	ssyncset.done $0x0;
	v11 =	vmulhi.u32 $0x51EB851F, v10;
	v10 =	vor.u32 s14, v2;
	v9 =	vshrl.u32 v9, $0x4  }
0x5d: {  	s20 =	simm.s32 $0x1B0;
	s10 =	simm.s32 $0x200;
	[sflag:s30] =	ssyncadd.s32 $0xFFFFE000;
	v12 =	vmulhi.u32 $0x51EB851F, v10;
	v10 =	vadd.s32 v0, v9;
	v9 =	vor.u32 s16, v2  }
0x5e: {  	[spmem:s1] =	stream.indirect.scatter.add.f32 [tilespmem:s24], [sflag:$0x5], $0x40, s31, s21, $0xb8;
	v8 =	vadd.s32 v0, v8;
	v13 =	vshrl.u32 v13, $0x4;
	v16 =	vmulhi.u32 $0x51EB851F, v9;
	[tilespmem:$0x1A500] =	vst v63  }
0x5f: {  	s9 =	simm.s32 $0x3400;
	s12 =	simm.s32 $0x200;
	_ =	swait.ge [sflag:s19], $0x2000;
	v11 =	vshrl.u32 v11, $0x4;
	v14 =	vshrl.u32 v12, $0x4;
	v12 =	vmulhi.u32 $0x51EB851F, v15  }
0x60: {  	s13 =	simm.s32 $0x3400;
	s14 =	simm.s32 $0x1A0;
	[sflag:s19] =	ssyncset.done $0x0;
	v15 =	vor.u32 s20, v2;
	v9 =	vadd.s32 v0, v11;
	v11 =	vshrl.u32 v16, $0x4  }
.LBB2_4:
0x61: {  	v16 =	vor.u32 s14, v2;
	v15 =	vmulhi.u32 $0x51EB851F, v15;
	v11 =	vadd.s32 v0, v11;
	[sflag:s19] =	ssyncadd.s32 $0xFFFFE000;
	s14 =	smov.u32 s12;
	s12 =	sadd.s32 $0x100, s12  }
0x62: {  	s15 =	sadd.s32 $0x80, s3;
	v12 =	vshrl.u32 v12, $0x4;
	v13 =	vadd.s32 v0, v13;
	p0 =	sne.s32 s12, $0x3200;
	_ =	swait.ge [sflag:s0], $0x2000  }
0x63: {  	v17 =	vor.u32 s15, v2;
	v12 =	vadd.s32 v0, v12;
	v15 =	vshrl.u32 v15, $0x4;
	[sflag:s0] =	ssyncset.done $0x0  }
0x64: {  	v17 =	vmulhi.u32 $0x51EB851F, v17;
	v15 =	vadd.s32 v0, v15;
	[sflag:s0] =	ssyncadd.s32 $0xFFFFE000  }
0x65: {  	v14 =	vadd.s32 v0, v14;
	v16 =	vmulhi.u32 $0x51EB851F, v16;
	[spmem:s2] =	stream.indirect.scatter.add.f32 [tilespmem:s25], [sflag:$0x5], $0x40, s31, s21, $0xb8;
	[tilespmem:$0x1A500] =	vst v63  }
0x66: {  	v17 =	vshrl.u32 v17, $0x4;
	_ =	swait.ge [sflag:s19], $0x2000  }
0x67: {  	v16 =	vshrl.u32 v16, $0x4;
	v17 =	vadd.s32 v0, v17;
	[sflag:s19] =	ssyncset.done $0x0  }
0x68: {  	s15 =	sadd.s32 $0xFFFFFF80, s11;
	v16 =	vadd.s32 v0, v16;
	[sflag:s19] =	ssyncadd.s32 $0xFFFFE000  }
0x69: {  	[tilespmem:s24], [sflag:$0x2] =	stream.indirect.gather [hbm4b:s5+s21], $0x40, s15, s21, $0xb8;
	[tilespmem:$0x1A500] =	vst v63  }
0x6a: {  	s15 =	sadd.s32 $0xFFFFFF80, s13  }
0x6b: {  	[tilespmem:s25], [sflag:$0x4] =	stream.indirect.gather [hbm4b:s6+s21], $0x40, s15, s21, $0xb8;
	[tilespmem:$0x1A500] =	vst v63  }
0x6c: {  	s16 =	sadd.s32 $0x70, s14;
	s15 =	sadd.s32 $0x40, s14;
	[tilespmem:$0x6470] =	vst v5  }
0x6d: {  	s17 =	sadd.s32 $0x10, s14;
	s20 =	sadd.s32 $0x30, s14;
	v18 =	vor.u32 s16, v2;
	v5 =	vor.u32 s15, v2;
	[tilespmem:$0x6460] =	vst v10  }
0x6e: {  	v19 =	vor.u32 s20, v2;
	v18 =	vmulhi.u32 $0x51EB851F, v18;
	s15 =	sadd.s32 $0x20, s14;
	v10 =	vor.u32 s17, v2;
	[tilespmem:$0x6430] =	vst v7  }
0x6f: {  	v5 =	vmulhi.u32 $0x51EB851F, v5;
	v7 =	vor.u32 s15, v2;
	[tilespmem:$0x6440] =	vst v4  }
0x70: {  	v18 =	vshrl.u32 v18, $0x4;
	v4 =	vmulhi.u32 $0x51EB851F, v19;
	[tilespmem:$0x6450] =	vst v8  }
0x71: {  	v8 =	vmulhi.u32 $0x51EB851F, v10;
	v10 =	vshrl.u32 v5, $0x4;
	v5 =	vadd.s32 v0, v18;
	[tilespmem:$0x6420] =	vst v6  }
0x72: {  	v6 =	vmulhi.u32 $0x51EB851F, v7;
	v7 =	vshrl.u32 v4, $0x4;
	v4 =	vadd.s32 v0, v10;
	[tilespmem:$0x6400] =	vst v9  }
0x73: {  	v8 =	vshrl.u32 v8, $0x4;
	v7 =	vadd.s32 v0, v7;
	[tilespmem:$0x6410] =	vst v3  }
0x74: {  	v3 =	vadd.s32 v0, v8;
	v6 =	vshrl.u32 v6, $0x4;
	_ =	swait.ge [sflag:s26], $0x2000  }
0x75: {  	s15 =	sadd.s32 $0x50, s14;
	v6 =	vadd.s32 v0, v6;
	[sflag:s26] =	ssyncset.done $0x0  }
0x76: {  	v8 =	vor.u32 s15, v2;
	s15 =	sadd.s32 $0x60, s14;
	[sflag:s26] =	ssyncadd.s32 $0xFFFFE000  }
0x77: {  	v8 =	vmulhi.u32 $0x51EB851F, v8;
	v9 =	vor.u32 s15, v2;
	[spmem:s1] =	stream.indirect.scatter.add.f32 [tilespmem:s22], [sflag:$0x5], $0x40, s28, s21, $0xb8;
	[tilespmem:$0x1A500] =	vst v63  }
0x78: {  	v9 =	vmulhi.u32 $0x51EB851F, v9;
	_ =	swait.ge [sflag:s19], $0x2000  }
0x79: {  	v8 =	vshrl.u32 v8, $0x4;
	[sflag:s19] =	ssyncset.done $0x0  }
0x7a: {  	v8 =	vadd.s32 v0, v8;
	v9 =	vshrl.u32 v9, $0x4;
	[sflag:s19] =	ssyncadd.s32 $0xFFFFE000  }
0x7b: {  	v10 =	vadd.s32 v0, v9;
	_ =	swait.ge [sflag:s29], $0x2000  }
0x7c: {  	v9 =	vor.u32 s14, v2;
	[sflag:s29] =	ssyncset.done $0x0  }
0x7d: {  	s11 =	sadd.s32 $0x100, s11;
	s13 =	sadd.s32 $0x100, s13;
	v9 =	vmulhi.u32 $0x51EB851F, v9;
	[sflag:s29] =	ssyncadd.s32 $0xFFFFE000  }
0x7e: {  	[spmem:s2] =	stream.indirect.scatter.add.f32 [tilespmem:s23], [sflag:$0x5], $0x40, s28, s21, $0xb8;
	[tilespmem:$0x1A500] =	vst v63  }
0x7f: {  	v9 =	vshrl.u32 v9, $0x4;
	_ =	swait.ge [sflag:s19], $0x2000  }
0x80: {  	p1 =	seq.s32 s3, $0x3100;
	s3 =	sadd.s32 $0xF0, s3;
	v9 =	vadd.s32 v0, v9;
	[sflag:s19] =	ssyncset.done $0x0  }
0x81: {  	s16 =	simm.s32 @!p1 $0x6500;
	v18 =	vor.u32 s3, v2;
	s15 =	simm.s32 @!p1 $0x80;
	[sflag:s19] =	ssyncadd.s32 $0xFFFFE000  }
0x82: {  	v18 =	vmulhi.u32 $0x51EB851F, v18;
	[tilespmem:s16], [sflag:$0x1] =	stream.indirect.gather @!p1 [hbm4b:s5+s15], $0x40, s10, s15, $0xb8;
	[tilespmem:$0x1A500] =	vst v63  }
0x83: {  	s3 =	smov.u32 s14;
	s16 =	simm.s32 @!p1 $0xA500;
	s10 =	smov.u32 s11  }
0x84: {  	v18 =	vshrl.u32 v18, $0x4;
	[tilespmem:s16], [sflag:$0x3] =	stream.indirect.gather @!p1 [hbm4b:s6+s15], $0x40, s9, s15, $0xb8;
	[tilespmem:$0x1A500] =	vst v63  }
0x85: {  	s9 =	smov.u32 s13;
	[tilespmem:$0x6480] =	vst v17;
	v17 =	vadd.s32 v0, v18  }
0x86: {  	[tilespmem:$0x64F0] =	vst v17  }
0x87: {  	[tilespmem:$0x64B0] =	vst v15  }
0x88: {  	[tilespmem:$0x64E0] =	vst v11  }
0x89: {  	[tilespmem:$0x64D0] =	vst v13  }
0x8a: {  	[tilespmem:$0x64A0] =	vst v16  }
0x8b: {  	s14 =	sadd.s32 $0x90, s3;
	[tilespmem:$0x6490] =	vst v14  }
0x8c: {  	v11 =	vor.u32 s14, v2;
	[tilespmem:$0x64C0] =	vst v12  }
0x8d: {  	s15 =	sadd.s32 $0xD0, s3;
	s14 =	sadd.s32 $0xC0, s3;
	v11 =	vmulhi.u32 $0x51EB851F, v11;
	_ =	swait.ge [sflag:s30], $0x2000  }
.Ltmp1:
0x8e: {  	v13 =	vor.u32 s15, v2;
	v12 =	vor.u32 s14, v2;
	s14 =	sadd.s32 $0xE0, s3;
	[sflag:s30] =	ssyncset.done $0x0;
	(pc) =	sbr.rel @p0 .LBB2_4-.Ltmp1, $4  }
0x8f: {  	v14 =	vshrl.u32 v11, $0x4;
	v11 =	vmulhi.u32 $0x51EB851F, v13;
	v13 =	vor.u32 s14, v2;
	[sflag:s30] =	ssyncadd.s32 $0xFFFFE000  }
0x90: {  	v16 =	vmulhi.u32 $0x51EB851F, v13;
	[spmem:s1] =	stream.indirect.scatter.add.f32 [tilespmem:s24], [sflag:$0x5], $0x40, s31, s21, $0xb8;
	[tilespmem:$0x1A500] =	vst v63  }
0x91: {  	s15 =	sadd.s32 $0xB0, s3;
	v12 =	vmulhi.u32 $0x51EB851F, v12;
	v13 =	vshrl.u32 v11, $0x4;
	_ =	swait.ge [sflag:s19], $0x2000  }
0x92: {  	v15 =	vor.u32 s15, v2;
	s14 =	sadd.s32 $0xA0, s3;
	v11 =	vshrl.u32 v16, $0x4;
	[sflag:s19] =	ssyncset.done $0x0  }
0x93: {  	[sflag:s19] =	ssyncadd.s32 $0xFFFFE000  }
0x94: {  	_ =	swait.ge [sflag:s0], $0x2000  }
0x95: {  	[sflag:s0] =	ssyncset.done $0x0  }
0x96: {  	[sflag:s0] =	ssyncadd.s32 $0xFFFFE000  }
0x97: {  	[spmem:s2] =	stream.indirect.scatter.add.f32 [tilespmem:s25], [sflag:$0x5], $0x40, s31, s21, $0xb8;
	[tilespmem:$0x1A500] =	vst v63  }
0x98: {  	_ =	swait.ge [sflag:s19], $0x2000  }
0x99: {  	[sflag:s19] =	ssyncset.done $0x0  }
0x9a: {  	s11 =	sadd.s32 $0xFFFFFF80, s11;
	[sflag:s19] =	ssyncadd.s32 $0xFFFFE000  }
0x9b: {  	[tilespmem:s24], [sflag:$0x2] =	stream.indirect.gather [hbm4b:s5+s21], $0x40, s11, s21, $0xb8;
	[tilespmem:$0x1A500] =	vst v63  }
0x9c: {  	s12 =	sadd.s32 $0xFFFFFF80, s13  }
0x9d: {  	[tilespmem:s25], [sflag:$0x4] =	stream.indirect.gather [hbm4b:s6+s21], $0x40, s12, s21, $0xb8;
	[tilespmem:$0x1A500] =	vst v63  }
0x9e: {  	[tilespmem:$0x6470] =	vst v5  }
0x9f: {  	[tilespmem:$0x6460] =	vst v10  }
0xa0: {  	[tilespmem:$0x6430] =	vst v7  }
0xa1: {  	[tilespmem:$0x6440] =	vst v4  }
0xa2: {  	[tilespmem:$0x6450] =	vst v8  }
0xa3: {  	[tilespmem:$0x6420] =	vst v6  }
0xa4: {  	[tilespmem:$0x6400] =	vst v9  }
0xa5: {  	[tilespmem:$0x6410] =	vst v3  }
0xa6: {  	_ =	swait.ge [sflag:s26], $0x2000  }
0xa7: {  	[sflag:s26] =	ssyncset.done $0x0  }
0xa8: {  	[sflag:s26] =	ssyncadd.s32 $0xFFFFE000  }
0xa9: {  	[spmem:s1] =	stream.indirect.scatter.add.f32 [tilespmem:s22], [sflag:$0x5], $0x40, s28, s21, $0xb8;
	[tilespmem:$0x1A500] =	vst v63  }
0xaa: {  	_ =	swait.ge [sflag:s19], $0x2000  }
0xab: {  	[sflag:s19] =	ssyncset.done $0x0  }
0xac: {  	[sflag:s19] =	ssyncadd.s32 $0xFFFFE000  }
0xad: {  	_ =	swait.ge [sflag:s29], $0x2000  }
0xae: {  	[sflag:s29] =	ssyncset.done $0x0  }
0xaf: {  	[sflag:s29] =	ssyncadd.s32 $0xFFFFE000  }
0xb0: {  	[spmem:s2] =	stream.indirect.scatter.add.f32 [tilespmem:s23], [sflag:$0x5], $0x40, s28, s21, $0xb8;
	[tilespmem:$0x1A500] =	vst v63  }
0xb1: {  	s13 =	sadd.s32 $0x80, s3;
	_ =	swait.ge [sflag:s19], $0x2000  }
0xb2: {  	p0 =	seq.s32 s3, $0x3100;
	s15 =	sadd.s32 $0xF0, s3;
	v3 =	vor.u32 s13, v2;
	[sflag:s19] =	ssyncset.done $0x0  }
0xb3: {  	s3 =	simm.s32 @!p0 $0x6500;
	s11 =	simm.s32 @!p0 $0x80;
	v3 =	vmulhi.u32 $0x51EB851F, v3;
	[sflag:s19] =	ssyncadd.s32 $0xFFFFE000  }
0xb4: {  	v57 =	vmulhi.u32 $0x51EB851F, v15;
	[tilespmem:s3], [sflag:$0x1] =	stream.indirect.gather @!p0 [hbm4b:s5+s11], $0x40, s10, s11, $0xb8;
	[tilespmem:$0x1A500] =	vst v63  }
0xb5: {  	v3 =	vshrl.u32 v3, $0x4;
	s3 =	simm.s32 @!p0 $0xA500  }
0xb6: {  	v56 =	vor.u32 s15, v2;
	v5 =	vshrl.u32 v57, $0x4;
	v3 =	vadd.s32 v0, v3;
	[tilespmem:s3], [sflag:$0x3] =	stream.indirect.gather @!p0 [hbm4b:s6+s11], $0x40, s9, s11, $0xb8;
	[tilespmem:$0x1A500] =	vst v63  }
0xb7: {  	v4 =	vmulhi.u32 $0x51EB851F, v56;
	v59 =	vadd.s32 v0, v5;
	[tilespmem:$0x6480] =	vst v3  }
0xb8: {  	v58 =	vor.u32 s14, v2;
	v61 =	vadd.s32 v0, v13;
	[tilespmem:$0x64B0] =	vst v59  }
0xb9: {  	v63 =	vadd.s32 v0, v14;
	v60 =	vmulhi.u32 $0x51EB851F, v58;
	v4 =	vshrl.u32 v4, $0x4;
	[tilespmem:$0x64D0] =	vst v61  }
0xba: {  	v3 =	vadd.s32 v0, v4;
	[tilespmem:$0x6490] =	vst v63  }
0xbb: {  	v5 =	vshrl.u32 v60, $0x4;
	[tilespmem:$0x64F0] =	vst v3;
	v3 =	vadd.s32 v0, v11  }
0xbc: {  	v62 =	vshrl.u32 v12, $0x4;
	[tilespmem:$0x64E0] =	vst v3;
	v3 =	vadd.s32 v0, v5  }
0xbd: {  	[tilespmem:$0x64A0] =	vst v3;
	v3 =	vadd.s32 v0, v62  }
0xbe: {  	[tilespmem:$0x64C0] =	vst v3  }
0xbf: {  	_ =	swait.ge [sflag:s30], $0x2000  }
0xc0: {  	[sflag:s30] =	ssyncset.done $0x0  }
0xc1: {  	[sflag:s30] =	ssyncadd.s32 $0xFFFFE000  }
0xc2: {  	[spmem:s1] =	stream.indirect.scatter.add.f32 [tilespmem:s24], [sflag:$0x5], $0x40, s31, s21, $0xb8;
	[tilespmem:$0x1A500] =	vst v63  }
0xc3: {  	_ =	swait.ge [sflag:s19], $0x2000  }
0xc4: {  	[sflag:s19] =	ssyncset.done $0x0  }
0xc5: {  	[sflag:s19] =	ssyncadd.s32 $0xFFFFE000  }
0xc6: {  	_ =	swait.ge [sflag:s0], $0x2000  }
0xc7: {  	[sflag:s0] =	ssyncset.done $0x0  }
0xc8: {  	[sflag:s0] =	ssyncadd.s32 $0xFFFFE000  }
0xc9: {  	[spmem:s2] =	stream.indirect.scatter.add.f32 [tilespmem:s25], [sflag:$0x5], $0x40, s31, s21, $0xb8;
	[tilespmem:$0x1A500] =	vst v63  }
0xca: {  	_ =	swait.ge [sflag:s19], $0x2000  }
0xcb: {  	[sflag:s19] =	ssyncset.done $0x0  }
0xcc: {  	[sflag:s19] =	ssyncadd.s32 $0xFFFFE000  }
0xcd: {  	[tilespmem:s18], [sflag:$0x5] =	stream.linear.gather [spmem:s7], $0x4000, $0x38;
	[tilespmem:$0x1A500] =	vst v63  }
0xce: {  	_ =	swait.ge [sflag:s19], $0x4000  }
0xcf: {  	[sflag:s19] =	ssyncset.done $0x0  }
0xd0: {  	s16 =	simm.s32 $0x0;
	s17 =	rddreg [dreg:$0x7];
	[sflag:s19] =	ssyncadd.s32 $0xFFFFC000  }
0xd1: {  	[hbm4b:s17+s16] =	stream.linear.scatter [tilespmem:s18], [sflag:$0x5], $0x4000, $0x38;
	[tilespmem:$0x1A500] =	vst v63  }
0xd2: {  	_ =	swait.ge [sflag:s19], $0x4000  }
0xd3: {  	[sflag:s19] =	ssyncset.done $0x0  }
0xd4: {  	[sflag:s19] =	ssyncadd.s32 $0xFFFFC000  }
0xd5: {  	[tilespmem:s18], [sflag:$0x5] =	stream.linear.gather [spmem:s8], $0x4000, $0x38;
	[tilespmem:$0x1A500] =	vst v63  }
0xd6: {  	_ =	swait.ge [sflag:s19], $0x4000  }
0xd7: {  	[sflag:s19] =	ssyncset.done $0x0  }
0xd8: {  	s20 =	rddreg [dreg:$0x8];
	[sflag:s19] =	ssyncadd.s32 $0xFFFFC000  }
0xd9: {  	[hbm4b:s20+s16] =	stream.linear.scatter [tilespmem:s18], [sflag:$0x5], $0x4000, $0x38;
	[tilespmem:$0x1A500] =	vst v63  }
0xda: {  	_ =	swait.ge [sflag:s19], $0x4000  }
0xdb: {  	[sflag:s19] =	ssyncset.done $0x0  }
0xdc: {  	s9 =	simm.s32 $0x100;
	s3 =	simm.s32 $0x0;
	[sflag:s19] =	ssyncadd.s32 $0xFFFFC000  }
.LBB2_6:
0xdd: {  	p0 =	sne.s32 s9, $0xFF00;
	[tilespmem:s3+$0xE530] =	vst v1;
	s10 =	smov.u32 s9;
	s9 =	sadd.s32 $0x100, s9  }
.Ltmp2:
0xde: {  	[tilespmem:s3+$0xE520] =	vst v1;
	(pc) =	sbr.rel @p0 .LBB2_6-.Ltmp2, $3  }
0xdf: {  	[tilespmem:s3+$0xE500] =	vst v1  }
0xe0: {  	[tilespmem:s3+$0xE510] =	vst v1;
	_ =	sdelay $0x1  }
0xe1: {  	s3 =	sshra.s32 s10, $0x2  }
0xe2: {  	[tilespmem:s3+$0xE530] =	vst v1  }
0xe3: {  	[tilespmem:s3+$0xE520] =	vst v1  }
0xe4: {  	[tilespmem:s3+$0xE500] =	vst v1  }
0xe5: {  	[tilespmem:s3+$0xE510] =	vst v1  }
0xe6: {  	[spmem:s7] =	stream.linear.scatter [tilespmem:s18], [sflag:$0x5], $0x4000, $0x38;
	[tilespmem:$0x1A500] =	vst v63  }
0xe7: {  	_ =	swait.ge [sflag:s19], $0x4000  }
0xe8: {  	[sflag:s19] =	ssyncset.done $0x0  }
0xe9: {  	[sflag:s19] =	ssyncadd.s32 $0xFFFFC000  }
0xea: {  	[spmem:s8] =	stream.linear.scatter [tilespmem:s18], [sflag:$0x5], $0x4000, $0x38;
	[tilespmem:$0x1A500] =	vst v63  }
0xeb: {  	_ =	swait.ge [sflag:s19], $0x4000  }
0xec: {  	[sflag:s19] =	ssyncset.done $0x0  }
0xed: {  	s3 =	simm.s32 $0x0;
	s9 =	rddreg [dreg:$0x9];
	[sflag:s19] =	ssyncadd.s32 $0xFFFFC000  }
0xee: {  	[tilespmem:s3], [sflag:$0x5] =	stream.linear.gather [hbm4b:s9+s3], $0x3200, $0x38;
	[tilespmem:$0x1A500] =	vst v63  }
0xef: {  	_ =	swait.ge [sflag:s19], $0x3200  }
0xf0: {  	[sflag:s19] =	ssyncset.done $0x0  }
0xf1: {  	s10 =	simm.s32 $0x3200;
	s20 =	rddreg [dreg:$0xa];
	[sflag:s19] =	ssyncadd.s32 $0xFFFFCE00  }
0xf2: {  	[tilespmem:s10], [sflag:$0x5] =	stream.linear.gather [hbm4b:s20+s3], $0x3200, $0x38;
	[tilespmem:$0x1A500] =	vst v63  }
0xf3: {  	_ =	swait.ge [sflag:s19], $0x3200  }
0xf4: {  	[sflag:s19] =	ssyncset.done $0x0  }
0xf5: {  	[sflag:s19] =	ssyncadd.s32 $0xFFFFCE00  }
0xf6: {  	[tilespmem:s22], [sflag:$0x1] =	stream.indirect.gather [hbm4b:s5+s21], $0x40, s3, s21, $0xb8;
	[tilespmem:$0x1A500] =	vst v63  }
0xf7: {  	s11 =	simm.s32 $0x40;
	s13 =	simm.s32 $0x60  }
0xf8: {  	v4 =	vor.u32 s11, v2;
	[tilespmem:s23], [sflag:$0x3] =	stream.indirect.gather [hbm4b:s6+s21], $0x40, s10, s21, $0xb8;
	[tilespmem:$0x1A500] =	vst v63  }
0xf9: {  	s12 =	simm.s32 $0x10;
	s14 =	simm.s32 $0x20;
	v6 =	vor.u32 s13, v2;
	v4 =	vmulhi.u32 $0x51EB851F, v4;
	s10 =	simm.s32 $0x70  }
0xfa: {  	s15 =	simm.s32 $0x80;
	s16 =	simm.s32 $0x50;
	s11 =	simm.s32 $0x30;
	v5 =	vor.u32 s12, v2;
	v6 =	vmulhi.u32 $0x51EB851F, v6;
	v3 =	vor.u32 s10, v2  }
0xfb: {  	v8 =	vor.u32 s14, v2;
	v7 =	vor.u32 s11, v2;
	v3 =	vmulhi.u32 $0x51EB851F, v3;
	[tilespmem:s24], [sflag:$0x2] =	stream.indirect.gather [hbm4b:s5+s21], $0x40, s15, s21, $0xb8;
	[tilespmem:$0x1A500] =	vst v63  }
0xfc: {  	s17 =	simm.s32 $0x3280;
	v9 =	vor.u32 s16, v2;
	v7 =	vmulhi.u32 $0x51EB851F, v7;
	v6 =	vshrl.u32 v6, $0x4  }
0xfd: {  	v9 =	vmulhi.u32 $0x51EB851F, v9;
	v6 =	vadd.s32 v0, v6;
	v3 =	vshrl.u32 v3, $0x4;
	[tilespmem:s25], [sflag:$0x4] =	stream.indirect.gather [hbm4b:s6+s21], $0x40, s17, s21, $0xb8;
	[tilespmem:$0x1A500] =	vst v63  }
0xfe: {  	v4 =	vshrl.u32 v4, $0x4;
	v7 =	vshrl.u32 v7, $0x4;
	v3 =	vadd.s32 v0, v3;
	[tilespmem:$0x6460] =	vst v6  }
0xff: {  	v7 =	vadd.s32 v0, v7;
	[tilespmem:$0x6470] =	vst v3;
	v3 =	vmulhi.u32 $0x51EB851F, v8;
	v8 =	vor.u32 s3, v2  }
0x100: {  	v4 =	vadd.s32 v0, v4;
	v6 =	vshrl.u32 v9, $0x4;
	[tilespmem:$0x6430] =	vst v7;
	v8 =	vmulhi.u32 $0x51EB851F, v8  }
0x101: {  	v5 =	vmulhi.u32 $0x51EB851F, v5;
	[tilespmem:$0x6440] =	vst v4;
	v6 =	vadd.s32 v0, v6;
	v3 =	vshrl.u32 v3, $0x4  }
0x102: {  	[tilespmem:$0x6450] =	vst v6;
	v3 =	vadd.s32 v0, v3;
	v4 =	vshrl.u32 v8, $0x4  }
0x103: {  	v5 =	vshrl.u32 v5, $0x4;
	v4 =	vadd.s32 v0, v4;
	[tilespmem:$0x6420] =	vst v3  }
0x104: {  	v3 =	vadd.s32 v0, v5;
	[tilespmem:$0x6400] =	vst v4  }
0x105: {  	[tilespmem:$0x6410] =	vst v3  }
0x106: {  	_ =	swait.ge [sflag:s26], $0x2000  }
0x107: {  	[sflag:s26] =	ssyncset.done $0x0  }
0x108: {  	s12 =	simm.s32 $0xB0;
	s17 =	simm.s32 $0x140;
	[sflag:s26] =	ssyncadd.s32 $0xFFFFE000  }
0x109: {  	v7 =	vor.u32 s12, v2;
	[spmem:s1] =	stream.indirect.scatter.add.f32 [tilespmem:s22], [sflag:$0x5], $0x40, s28, s21, $0xb8;
	[tilespmem:$0x1A500] =	vst v63  }
0x10a: {  	s11 =	simm.s32 $0xC0;
	v12 =	vor.u32 s17, v2;
	v7 =	vmulhi.u32 $0x51EB851F, v7;
	_ =	swait.ge [sflag:s19], $0x2000  }
0x10b: {  	s10 =	simm.s32 $0xE0;
	v12 =	vmulhi.u32 $0x51EB851F, v12;
	v6 =	vor.u32 s11, v2;
	[sflag:s19] =	ssyncset.done $0x0  }
0x10c: {  	s20 =	simm.s32 $0x90;
	v6 =	vmulhi.u32 $0x51EB851F, v6;
	v5 =	vor.u32 s10, v2;
	[sflag:s19] =	ssyncadd.s32 $0xFFFFE000  }
0x10d: {  	s9 =	simm.s32 $0xD0;
	v3 =	vor.u32 s20, v2;
	v5 =	vmulhi.u32 $0x51EB851F, v5;
	_ =	swait.ge [sflag:s29], $0x2000  }
0x10e: {  	s13 =	simm.s32 $0xA0;
	v4 =	vor.u32 s9, v2;
	v3 =	vmulhi.u32 $0x51EB851F, v3;
	[sflag:s29] =	ssyncset.done $0x0  }
0x10f: {  	p0 =	por $0x0, $0x0;
	s14 =	simm.s32 $0x80;
	v8 =	vor.u32 s13, v2;
	v6 =	vshrl.u32 v6, $0x4;
	v4 =	vmulhi.u32 $0x51EB851F, v4;
	[sflag:s29] =	ssyncadd.s32 $0xFFFFE000  }
0x110: {  	v11 =	vadd.s32 v0, v6;
	v6 =	vmulhi.u32 $0x51EB851F, v8;
	[spmem:s2] =	stream.indirect.scatter.add.f32 [tilespmem:s23], [sflag:$0x5], $0x40, s28, s21, $0xb8;
	[tilespmem:$0x1A500] =	vst v63  }
0x111: {  	s16 =	simm.s32 $0xF0;
	s12 =	simm.s32 @!p0 $0x80;
	v5 =	vshrl.u32 v5, $0x4;
	v3 =	vshrl.u32 v3, $0x4;
	v4 =	vshrl.u32 v4, $0x4;
	_ =	swait.ge [sflag:s19], $0x2000  }
0x112: {  	s17 =	simm.s32 $0x1C0;
	s13 =	simm.s32 @!p0 $0x6500;
	v9 =	vadd.s32 v0, v5;
	v5 =	vor.u32 s14, v2;
	v10 =	vadd.s32 v0, v4;
	[sflag:s19] =	ssyncset.done $0x0  }
0x113: {  	s10 =	simm.s32 $0x100;
	s20 =	simm.s32 $0x130;
	v4 =	vmulhi.u32 $0x51EB851F, v5;
	v8 =	vadd.s32 v0, v3;
	v3 =	vor.u32 s16, v2;
	[sflag:s19] =	ssyncadd.s32 $0xFFFFE000  }
0x114: {  	v15 =	vor.u32 s17, v2;
	v13 =	vor.u32 s20, v2;
	v3 =	vmulhi.u32 $0x51EB851F, v3;
	[tilespmem:s13], [sflag:$0x1] =	stream.indirect.gather @!p0 [hbm4b:s5+s12], $0x40, s10, s12, $0xb8;
	[tilespmem:$0x1A500] =	vst v63  }
0x115: {  	s15 =	simm.s32 $0x170;
	s3 =	simm.s32 $0x3300;
	s9 =	simm.s32 @!p0 $0xA500;
	v13 =	vmulhi.u32 $0x51EB851F, v13;
	v5 =	vshrl.u32 v7, $0x4;
	v4 =	vshrl.u32 v4, $0x4  }
0x116: {  	v7 =	vor.u32 s15, v2;
	v4 =	vadd.s32 v0, v4;
	v3 =	vshrl.u32 v3, $0x4;
	[tilespmem:s9], [sflag:$0x3] =	stream.indirect.gather @!p0 [hbm4b:s6+s12], $0x40, s3, s12, $0xb8;
	[tilespmem:$0x1A500] =	vst v63  }
0x117: {  	v6 =	vshrl.u32 v6, $0x4;
	v7 =	vmulhi.u32 $0x51EB851F, v7;
	v3 =	vadd.s32 v0, v3;
	s9 =	simm.s32 $0x110;
	[tilespmem:$0x6480] =	vst v4  }
0x118: {  	v6 =	vadd.s32 v0, v6;
	v5 =	vadd.s32 v0, v5;
	s10 =	simm.s32 $0x120;
	v4 =	vor.u32 s9, v2;
	[tilespmem:$0x64F0] =	vst v3  }
0x119: {  	v14 =	vor.u32 s10, v2;
	v3 =	vshrl.u32 v7, $0x4;
	[tilespmem:$0x64B0] =	vst v5;
	v7 =	vmulhi.u32 $0x51EB851F, v4  }
0x11a: {  	s12 =	simm.s32 $0x150;
	[tilespmem:$0x64E0] =	vst v9;
	v4 =	vshrl.u32 v12, $0x4;
	v5 =	vadd.s32 v0, v3;
	v3 =	vmulhi.u32 $0x51EB851F, v14  }
0x11b: {  	[tilespmem:$0x64D0] =	vst v10;
	v12 =	vshrl.u32 v13, $0x4;
	v13 =	vor.u32 s12, v2;
	v4 =	vadd.s32 v0, v4  }
0x11c: {  	s13 =	simm.s32 $0x160;
	[tilespmem:$0x64A0] =	vst v6;
	v9 =	vshrl.u32 v7, $0x4;
	v7 =	vadd.s32 v0, v12;
	v10 =	vshrl.u32 v3, $0x4  }
0x11d: {  	s15 =	simm.s32 $0x1D0;
	[tilespmem:$0x6490] =	vst v8;
	v12 =	vmulhi.u32 $0x51EB851F, v13;
	v3 =	vadd.s32 v0, v9;
	v9 =	vor.u32 s13, v2  }
0x11e: {  	s3 =	simm.s32 $0x100;
	[tilespmem:$0x64C0] =	vst v11;
	v13 =	vor.u32 s15, v2;
	v6 =	vadd.s32 v0, v10;
	v9 =	vmulhi.u32 $0x51EB851F, v9  }
0x11f: {  	s14 =	simm.s32 $0x190;
	_ =	swait.ge [sflag:s30], $0x2000;
	v10 =	vor.u32 s3, v2;
	v13 =	vmulhi.u32 $0x51EB851F, v13;
	v8 =	vshrl.u32 v12, $0x4  }
0x120: {  	s11 =	simm.s32 $0x200;
	s16 =	simm.s32 $0x1E0;
	[sflag:s30] =	ssyncset.done $0x0;
	v11 =	vmulhi.u32 $0x51EB851F, v10;
	v10 =	vor.u32 s14, v2;
	v9 =	vshrl.u32 v9, $0x4  }
0x121: {  	s20 =	simm.s32 $0x1B0;
	s10 =	simm.s32 $0x200;
	[sflag:s30] =	ssyncadd.s32 $0xFFFFE000;
	v12 =	vmulhi.u32 $0x51EB851F, v10;
	v10 =	vadd.s32 v0, v9;
	v9 =	vor.u32 s16, v2  }
0x122: {  	[spmem:s1] =	stream.indirect.scatter.add.f32 [tilespmem:s24], [sflag:$0x5], $0x40, s31, s21, $0xb8;
	v8 =	vadd.s32 v0, v8;
	v13 =	vshrl.u32 v13, $0x4;
	v16 =	vmulhi.u32 $0x51EB851F, v9;
	[tilespmem:$0x1A500] =	vst v63  }
0x123: {  	s9 =	simm.s32 $0x3400;
	s12 =	simm.s32 $0x200;
	_ =	swait.ge [sflag:s19], $0x2000;
	v11 =	vshrl.u32 v11, $0x4;
	v14 =	vshrl.u32 v12, $0x4;
	v12 =	vmulhi.u32 $0x51EB851F, v15  }
0x124: {  	s13 =	simm.s32 $0x3400;
	s14 =	simm.s32 $0x1A0;
	[sflag:s19] =	ssyncset.done $0x0;
	v15 =	vor.u32 s20, v2;
	v9 =	vadd.s32 v0, v11;
	v11 =	vshrl.u32 v16, $0x4  }
.LBB2_8:
0x125: {  	v16 =	vor.u32 s14, v2;
	v15 =	vmulhi.u32 $0x51EB851F, v15;
	v11 =	vadd.s32 v0, v11;
	[sflag:s19] =	ssyncadd.s32 $0xFFFFE000;
	s14 =	smov.u32 s12;
	s12 =	sadd.s32 $0x100, s12  }
0x126: {  	s15 =	sadd.s32 $0x80, s3;
	v12 =	vshrl.u32 v12, $0x4;
	v13 =	vadd.s32 v0, v13;
	p0 =	sne.s32 s12, $0x3200;
	_ =	swait.ge [sflag:s0], $0x2000  }
0x127: {  	v17 =	vor.u32 s15, v2;
	v12 =	vadd.s32 v0, v12;
	v15 =	vshrl.u32 v15, $0x4;
	[sflag:s0] =	ssyncset.done $0x0  }
0x128: {  	v17 =	vmulhi.u32 $0x51EB851F, v17;
	v15 =	vadd.s32 v0, v15;
	[sflag:s0] =	ssyncadd.s32 $0xFFFFE000  }
0x129: {  	v14 =	vadd.s32 v0, v14;
	v16 =	vmulhi.u32 $0x51EB851F, v16;
	[spmem:s2] =	stream.indirect.scatter.add.f32 [tilespmem:s25], [sflag:$0x5], $0x40, s31, s21, $0xb8;
	[tilespmem:$0x1A500] =	vst v63  }
0x12a: {  	v17 =	vshrl.u32 v17, $0x4;
	_ =	swait.ge [sflag:s19], $0x2000  }
0x12b: {  	v16 =	vshrl.u32 v16, $0x4;
	v17 =	vadd.s32 v0, v17;
	[sflag:s19] =	ssyncset.done $0x0  }
0x12c: {  	s15 =	sadd.s32 $0xFFFFFF80, s11;
	v16 =	vadd.s32 v0, v16;
	[sflag:s19] =	ssyncadd.s32 $0xFFFFE000  }
0x12d: {  	[tilespmem:s24], [sflag:$0x2] =	stream.indirect.gather [hbm4b:s5+s21], $0x40, s15, s21, $0xb8;
	[tilespmem:$0x1A500] =	vst v63  }
0x12e: {  	s15 =	sadd.s32 $0xFFFFFF80, s13  }
0x12f: {  	[tilespmem:s25], [sflag:$0x4] =	stream.indirect.gather [hbm4b:s6+s21], $0x40, s15, s21, $0xb8;
	[tilespmem:$0x1A500] =	vst v63  }
0x130: {  	s16 =	sadd.s32 $0x70, s14;
	s15 =	sadd.s32 $0x40, s14;
	[tilespmem:$0x6470] =	vst v5  }
0x131: {  	s17 =	sadd.s32 $0x10, s14;
	s20 =	sadd.s32 $0x30, s14;
	v18 =	vor.u32 s16, v2;
	v5 =	vor.u32 s15, v2;
	[tilespmem:$0x6460] =	vst v10  }
0x132: {  	v19 =	vor.u32 s20, v2;
	v18 =	vmulhi.u32 $0x51EB851F, v18;
	s15 =	sadd.s32 $0x20, s14;
	v10 =	vor.u32 s17, v2;
	[tilespmem:$0x6430] =	vst v7  }
0x133: {  	v5 =	vmulhi.u32 $0x51EB851F, v5;
	v7 =	vor.u32 s15, v2;
	[tilespmem:$0x6440] =	vst v4  }
0x134: {  	v18 =	vshrl.u32 v18, $0x4;
	v4 =	vmulhi.u32 $0x51EB851F, v19;
	[tilespmem:$0x6450] =	vst v8  }
0x135: {  	v8 =	vmulhi.u32 $0x51EB851F, v10;
	v10 =	vshrl.u32 v5, $0x4;
	v5 =	vadd.s32 v0, v18;
	[tilespmem:$0x6420] =	vst v6  }
0x136: {  	v6 =	vmulhi.u32 $0x51EB851F, v7;
	v7 =	vshrl.u32 v4, $0x4;
	v4 =	vadd.s32 v0, v10;
	[tilespmem:$0x6400] =	vst v9  }
0x137: {  	v8 =	vshrl.u32 v8, $0x4;
	v7 =	vadd.s32 v0, v7;
	[tilespmem:$0x6410] =	vst v3  }
0x138: {  	v3 =	vadd.s32 v0, v8;
	v6 =	vshrl.u32 v6, $0x4;
	_ =	swait.ge [sflag:s26], $0x2000  }
0x139: {  	s15 =	sadd.s32 $0x50, s14;
	v6 =	vadd.s32 v0, v6;
	[sflag:s26] =	ssyncset.done $0x0  }
0x13a: {  	v8 =	vor.u32 s15, v2;
	s15 =	sadd.s32 $0x60, s14;
	[sflag:s26] =	ssyncadd.s32 $0xFFFFE000  }
0x13b: {  	v8 =	vmulhi.u32 $0x51EB851F, v8;
	v9 =	vor.u32 s15, v2;
	[spmem:s1] =	stream.indirect.scatter.add.f32 [tilespmem:s22], [sflag:$0x5], $0x40, s28, s21, $0xb8;
	[tilespmem:$0x1A500] =	vst v63  }
0x13c: {  	v9 =	vmulhi.u32 $0x51EB851F, v9;
	_ =	swait.ge [sflag:s19], $0x2000  }
0x13d: {  	v8 =	vshrl.u32 v8, $0x4;
	[sflag:s19] =	ssyncset.done $0x0  }
0x13e: {  	v8 =	vadd.s32 v0, v8;
	v9 =	vshrl.u32 v9, $0x4;
	[sflag:s19] =	ssyncadd.s32 $0xFFFFE000  }
0x13f: {  	v10 =	vadd.s32 v0, v9;
	_ =	swait.ge [sflag:s29], $0x2000  }
0x140: {  	v9 =	vor.u32 s14, v2;
	[sflag:s29] =	ssyncset.done $0x0  }
0x141: {  	s11 =	sadd.s32 $0x100, s11;
	s13 =	sadd.s32 $0x100, s13;
	v9 =	vmulhi.u32 $0x51EB851F, v9;
	[sflag:s29] =	ssyncadd.s32 $0xFFFFE000  }
0x142: {  	[spmem:s2] =	stream.indirect.scatter.add.f32 [tilespmem:s23], [sflag:$0x5], $0x40, s28, s21, $0xb8;
	[tilespmem:$0x1A500] =	vst v63  }
0x143: {  	v9 =	vshrl.u32 v9, $0x4;
	_ =	swait.ge [sflag:s19], $0x2000  }
0x144: {  	p1 =	seq.s32 s3, $0x3100;
	s3 =	sadd.s32 $0xF0, s3;
	v9 =	vadd.s32 v0, v9;
	[sflag:s19] =	ssyncset.done $0x0  }
0x145: {  	s16 =	simm.s32 @!p1 $0x6500;
	v18 =	vor.u32 s3, v2;
	s15 =	simm.s32 @!p1 $0x80;
	[sflag:s19] =	ssyncadd.s32 $0xFFFFE000  }
0x146: {  	v18 =	vmulhi.u32 $0x51EB851F, v18;
	[tilespmem:s16], [sflag:$0x1] =	stream.indirect.gather @!p1 [hbm4b:s5+s15], $0x40, s10, s15, $0xb8;
	[tilespmem:$0x1A500] =	vst v63  }
0x147: {  	s3 =	smov.u32 s14;
	s16 =	simm.s32 @!p1 $0xA500;
	s10 =	smov.u32 s11  }
0x148: {  	v18 =	vshrl.u32 v18, $0x4;
	[tilespmem:s16], [sflag:$0x3] =	stream.indirect.gather @!p1 [hbm4b:s6+s15], $0x40, s9, s15, $0xb8;
	[tilespmem:$0x1A500] =	vst v63  }
0x149: {  	s9 =	smov.u32 s13;
	[tilespmem:$0x6480] =	vst v17;
	v17 =	vadd.s32 v0, v18  }
0x14a: {  	[tilespmem:$0x64F0] =	vst v17  }
0x14b: {  	[tilespmem:$0x64B0] =	vst v15  }
0x14c: {  	[tilespmem:$0x64E0] =	vst v11  }
0x14d: {  	[tilespmem:$0x64D0] =	vst v13  }
0x14e: {  	[tilespmem:$0x64A0] =	vst v16  }
0x14f: {  	s14 =	sadd.s32 $0x90, s3;
	[tilespmem:$0x6490] =	vst v14  }
0x150: {  	v11 =	vor.u32 s14, v2;
	[tilespmem:$0x64C0] =	vst v12  }
0x151: {  	s15 =	sadd.s32 $0xD0, s3;
	s14 =	sadd.s32 $0xC0, s3;
	v11 =	vmulhi.u32 $0x51EB851F, v11;
	_ =	swait.ge [sflag:s30], $0x2000  }
.Ltmp3:
0x152: {  	v13 =	vor.u32 s15, v2;
	v12 =	vor.u32 s14, v2;
	s14 =	sadd.s32 $0xE0, s3;
	[sflag:s30] =	ssyncset.done $0x0;
	(pc) =	sbr.rel @p0 .LBB2_8-.Ltmp3, $4  }
0x153: {  	v14 =	vshrl.u32 v11, $0x4;
	v11 =	vmulhi.u32 $0x51EB851F, v13;
	v13 =	vor.u32 s14, v2;
	[sflag:s30] =	ssyncadd.s32 $0xFFFFE000  }
0x154: {  	v16 =	vmulhi.u32 $0x51EB851F, v13;
	[spmem:s1] =	stream.indirect.scatter.add.f32 [tilespmem:s24], [sflag:$0x5], $0x40, s31, s21, $0xb8;
	[tilespmem:$0x1A500] =	vst v63  }
0x155: {  	s15 =	sadd.s32 $0xB0, s3;
	v12 =	vmulhi.u32 $0x51EB851F, v12;
	v13 =	vshrl.u32 v11, $0x4;
	_ =	swait.ge [sflag:s19], $0x2000  }
0x156: {  	v15 =	vor.u32 s15, v2;
	s14 =	sadd.s32 $0xA0, s3;
	v11 =	vshrl.u32 v16, $0x4;
	[sflag:s19] =	ssyncset.done $0x0  }
0x157: {  	[sflag:s19] =	ssyncadd.s32 $0xFFFFE000  }
0x158: {  	_ =	swait.ge [sflag:s0], $0x2000  }
0x159: {  	[sflag:s0] =	ssyncset.done $0x0  }
0x15a: {  	[sflag:s0] =	ssyncadd.s32 $0xFFFFE000  }
0x15b: {  	[spmem:s2] =	stream.indirect.scatter.add.f32 [tilespmem:s25], [sflag:$0x5], $0x40, s31, s21, $0xb8;
	[tilespmem:$0x1A500] =	vst v63  }
0x15c: {  	_ =	swait.ge [sflag:s19], $0x2000  }
0x15d: {  	[sflag:s19] =	ssyncset.done $0x0  }
0x15e: {  	s11 =	sadd.s32 $0xFFFFFF80, s11;
	[sflag:s19] =	ssyncadd.s32 $0xFFFFE000  }
0x15f: {  	[tilespmem:s24], [sflag:$0x2] =	stream.indirect.gather [hbm4b:s5+s21], $0x40, s11, s21, $0xb8;
	[tilespmem:$0x1A500] =	vst v63  }
0x160: {  	s20 =	sadd.s32 $0xFFFFFF80, s13  }
0x161: {  	[tilespmem:s25], [sflag:$0x4] =	stream.indirect.gather [hbm4b:s6+s21], $0x40, s20, s21, $0xb8;
	[tilespmem:$0x1A500] =	vst v63  }
0x162: {  	[tilespmem:$0x6470] =	vst v5  }
0x163: {  	[tilespmem:$0x6460] =	vst v10  }
0x164: {  	[tilespmem:$0x6430] =	vst v7  }
0x165: {  	[tilespmem:$0x6440] =	vst v4  }
0x166: {  	[tilespmem:$0x6450] =	vst v8  }
0x167: {  	[tilespmem:$0x6420] =	vst v6  }
0x168: {  	[tilespmem:$0x6400] =	vst v9  }
0x169: {  	[tilespmem:$0x6410] =	vst v3  }
0x16a: {  	_ =	swait.ge [sflag:s26], $0x2000  }
0x16b: {  	[sflag:s26] =	ssyncset.done $0x0  }
0x16c: {  	[sflag:s26] =	ssyncadd.s32 $0xFFFFE000  }
0x16d: {  	[spmem:s1] =	stream.indirect.scatter.add.f32 [tilespmem:s22], [sflag:$0x5], $0x40, s28, s21, $0xb8;
	[tilespmem:$0x1A500] =	vst v63  }
0x16e: {  	_ =	swait.ge [sflag:s19], $0x2000  }
0x16f: {  	[sflag:s19] =	ssyncset.done $0x0  }
0x170: {  	[sflag:s19] =	ssyncadd.s32 $0xFFFFE000  }
0x171: {  	_ =	swait.ge [sflag:s29], $0x2000  }
0x172: {  	[sflag:s29] =	ssyncset.done $0x0  }
0x173: {  	[sflag:s29] =	ssyncadd.s32 $0xFFFFE000  }
0x174: {  	[spmem:s2] =	stream.indirect.scatter.add.f32 [tilespmem:s23], [sflag:$0x5], $0x40, s28, s21, $0xb8;
	[tilespmem:$0x1A500] =	vst v63  }
0x175: {  	s12 =	sadd.s32 $0x80, s3;
	_ =	swait.ge [sflag:s19], $0x2000  }
0x176: {  	p0 =	seq.s32 s3, $0x3100;
	s13 =	sadd.s32 $0xF0, s3;
	v3 =	vor.u32 s12, v2;
	[sflag:s19] =	ssyncset.done $0x0  }
0x177: {  	s3 =	simm.s32 @!p0 $0x6500;
	s11 =	simm.s32 @!p0 $0x80;
	v3 =	vmulhi.u32 $0x51EB851F, v3;
	[sflag:s19] =	ssyncadd.s32 $0xFFFFE000  }
0x178: {  	v57 =	vmulhi.u32 $0x51EB851F, v15;
	[tilespmem:s3], [sflag:$0x1] =	stream.indirect.gather @!p0 [hbm4b:s5+s11], $0x40, s10, s11, $0xb8;
	[tilespmem:$0x1A500] =	vst v63  }
0x179: {  	v3 =	vshrl.u32 v3, $0x4;
	s3 =	simm.s32 @!p0 $0xA500  }
0x17a: {  	v56 =	vor.u32 s13, v2;
	v5 =	vshrl.u32 v57, $0x4;
	v3 =	vadd.s32 v0, v3;
	[tilespmem:s3], [sflag:$0x3] =	stream.indirect.gather @!p0 [hbm4b:s6+s11], $0x40, s9, s11, $0xb8;
	[tilespmem:$0x1A500] =	vst v63  }
0x17b: {  	v4 =	vmulhi.u32 $0x51EB851F, v56;
	v59 =	vadd.s32 v0, v5;
	[tilespmem:$0x6480] =	vst v3  }
0x17c: {  	v58 =	vor.u32 s14, v2;
	v61 =	vadd.s32 v0, v13;
	[tilespmem:$0x64B0] =	vst v59  }
0x17d: {  	v63 =	vadd.s32 v0, v14;
	v60 =	vmulhi.u32 $0x51EB851F, v58;
	v4 =	vshrl.u32 v4, $0x4;
	[tilespmem:$0x64D0] =	vst v61  }
0x17e: {  	v3 =	vadd.s32 v0, v4;
	[tilespmem:$0x6490] =	vst v63  }
0x17f: {  	v5 =	vshrl.u32 v60, $0x4;
	[tilespmem:$0x64F0] =	vst v3;
	v3 =	vadd.s32 v0, v11  }
0x180: {  	v62 =	vshrl.u32 v12, $0x4;
	[tilespmem:$0x64E0] =	vst v3;
	v3 =	vadd.s32 v0, v5  }
0x181: {  	[tilespmem:$0x64A0] =	vst v3;
	v3 =	vadd.s32 v0, v62  }
0x182: {  	[tilespmem:$0x64C0] =	vst v3  }
0x183: {  	_ =	swait.ge [sflag:s30], $0x2000  }
0x184: {  	[sflag:s30] =	ssyncset.done $0x0  }
0x185: {  	[sflag:s30] =	ssyncadd.s32 $0xFFFFE000  }
0x186: {  	[spmem:s1] =	stream.indirect.scatter.add.f32 [tilespmem:s24], [sflag:$0x5], $0x40, s31, s21, $0xb8;
	[tilespmem:$0x1A500] =	vst v63  }
0x187: {  	_ =	swait.ge [sflag:s19], $0x2000  }
0x188: {  	[sflag:s19] =	ssyncset.done $0x0  }
0x189: {  	[sflag:s19] =	ssyncadd.s32 $0xFFFFE000  }
0x18a: {  	_ =	swait.ge [sflag:s0], $0x2000  }
0x18b: {  	[sflag:s0] =	ssyncset.done $0x0  }
0x18c: {  	[sflag:s0] =	ssyncadd.s32 $0xFFFFE000  }
0x18d: {  	[spmem:s2] =	stream.indirect.scatter.add.f32 [tilespmem:s25], [sflag:$0x5], $0x40, s31, s21, $0xb8;
	[tilespmem:$0x1A500] =	vst v63  }
0x18e: {  	_ =	swait.ge [sflag:s19], $0x2000  }
0x18f: {  	[sflag:s19] =	ssyncset.done $0x0  }
0x190: {  	[sflag:s19] =	ssyncadd.s32 $0xFFFFE000  }
0x191: {  	[tilespmem:s18], [sflag:$0x5] =	stream.linear.gather [spmem:s7], $0x4000, $0x38;
	[tilespmem:$0x1A500] =	vst v63  }
0x192: {  	_ =	swait.ge [sflag:s19], $0x4000  }
0x193: {  	[sflag:s19] =	ssyncset.done $0x0  }
0x194: {  	s15 =	simm.s32 $0x0;
	s16 =	rddreg [dreg:$0xb];
	[sflag:s19] =	ssyncadd.s32 $0xFFFFC000  }
0x195: {  	[hbm4b:s16+s15] =	stream.linear.scatter [tilespmem:s18], [sflag:$0x5], $0x4000, $0x38;
	[tilespmem:$0x1A500] =	vst v63  }
0x196: {  	_ =	swait.ge [sflag:s19], $0x4000  }
0x197: {  	[sflag:s19] =	ssyncset.done $0x0  }
0x198: {  	[sflag:s19] =	ssyncadd.s32 $0xFFFFC000  }
0x199: {  	[tilespmem:s18], [sflag:$0x5] =	stream.linear.gather [spmem:s8], $0x4000, $0x38;
	[tilespmem:$0x1A500] =	vst v63  }
0x19a: {  	_ =	swait.ge [sflag:s19], $0x4000  }
0x19b: {  	[sflag:s19] =	ssyncset.done $0x0  }
0x19c: {  	s17 =	rddreg [dreg:$0xc];
	[sflag:s19] =	ssyncadd.s32 $0xFFFFC000  }
0x19d: {  	[hbm4b:s17+s15] =	stream.linear.scatter [tilespmem:s18], [sflag:$0x5], $0x4000, $0x38;
	[tilespmem:$0x1A500] =	vst v63  }
0x19e: {  	_ =	swait.ge [sflag:s19], $0x4000  }
0x19f: {  	s4 =	sadd.s32 $0x1, s4;
	s20 =	rddreg [dreg:$0xd]  }
0x1a0: {  	p0 =	sne.s32 s4, s20  }
.Ltmp4:
0x1a1: {  	_ = 	snop;
	(pc) =	sbr.rel @p0 .LBB2_1-.Ltmp4, $3  }
0x1a2: {  	_ =	sdelay $0x1  }
0x1a3: {  	[sflag:s19] =	ssyncset.done $0x0  }
0x1a4: {  	[sflag:s19] =	ssyncadd.s32 $0xFFFFC000  }
0x1a5: {  	_ =	sfence.sel $0x180000  }
0x1a6: {  	[bflag:$0x0] =	sbarrier.arrive $0xFFFF  }
0x1a7: {  	_ =	strace $0x90000047  }
0x1a8: {  	s0 =	stileid.u32;
	[bflag:$0x2] =	sbarrier.arrive $0xFFFF  }
0x1a9: {  	p0 =	sne.s32 s0, $0x0;
	s0 =	rddreg [dreg:$0x4]  }
0x1aa: {  	s0 =	sadd.s32 @!p0 $0x100000, s0  }
0x1ab: {  	[sflag:s0] =	ssyncadd.tile.s32 @!p0 $0x1;
	_ =	shalt  }
.Lfunc_end2:
_tile_overlayer_lowered:
.L_overlay_start_2:
0x1ac: {  	(tag) =	ssettag $0x2  }
0x1ad: {  	s0 =	rddreg [dreg:$0x0];
	s2 =	stileid.u32  }
0x1ae: {  	s1 =	rddreg [dreg:$0x1];
	p0 =	sne.s32 s2, $0x0  }
0x1af: {  	s3 =	rddreg [dreg:$0x2];
	[bflag:$0x3] =	sbarrier.arrive $0xFFFF;
	s2 =	simm.s32 @!p0 $0x1C05  }
0x1b0: {  	[timem:s3], [sflag:s2] =	dma.local @!p0 [hbm:s0], s1  }
0x1b1: {  	s0 =	simm.s32 @!p0 $0x5  }
0x1b2: {  	_ =	swait.ge @!p0 [sflag:s0], s1  }
0x1b3: {  	s1 =	ssub.s32 @!p0 $0x0, s1;
	[sflag:s0] =	ssyncset.done @!p0 $0x0  }
0x1b4: {  	[sflag:s0] =	ssyncadd.s32 @!p0 s1  }
0x1b5: {  	[bflag:$0x3] =	sbarrier.arrive $0xFFFF  }
0x1b6: {  	_ =	shalt  }

// kernel: kernel.8.cloned.1.call-start
scs
__scs_entry_jumppad:
0x0: {  	(pc) =	sbr.rel $0x88, $3  }
0x1: {  	(tag) =	ssettag $0x0;
	lr =	simm.s32 $0x1  }
0x2: {  	[smem:$0x3F99] =	sst lr;
	_ =	strace $0xD0000000  }
0x3: {  	_ = 	snop  }
0x4: {  	_ = 	snop  }
0x5: {  	_ = 	snop  }
0x6: {  	_ = 	snop  }
0x7: {  	_ = 	snop  }
__scs_overlays_trampoline_lowered:
0x8: {  	[smem:$0x3FA8] =	sst s0  }
0x9: {  	[smem:$0x3FA9] =	sst s1  }
0xa: {  	[smem:$0x3FAA] =	sst s2  }
0xb: {  	[smem:$0x3FAB] =	sst s3  }
0xc: {  	[smem:$0x3FAC] =	sst s4  }
0xd: {  	[smem:$0x3FAD] =	sst s5  }
0xe: {  	[smem:$0x3FAE] =	sst s6  }
0xf: {  	[smem:$0x3FAF] =	sst s7  }
0x10: {  	[smem:$0x3FB0] =	sst s8  }
0x11: {  	[smem:$0x3FB1] =	sst s9;
	s0 =	simm.s32 @!p0 $0x0  }
0x12: {  	s1 =	sld [smem:$0x3F97];
	s0 =	simm.s32 @p0 $0x1  }
0x13: {  	[smem:$0x3FB2] =	sst s0;
	s0 =	simm.s32 @!p1 $0x0  }
0x14: {  	s2 =	sld [smem:$0x3F96];
	s0 =	simm.s32 @p1 $0x1  }
0x15: {  	[smem:$0x3FB3] =	sst s0;
	s0 =	simm.s32 @!p2 $0x0  }
0x16: {  	s3 =	sld [smem:$0x3FDB];
	s0 =	simm.s32 @p2 $0x1  }
0x17: {  	s4 =	simm.s32 $0x1BF5;
	[smem:$0x3FB5] =	sst s0  }
0x18: {  	s0 =	sld [smem:$0x3F98];
	_ =	swait.ge [sflag:s4], $0x0  }
0x19: {  	s7 =	sld [smem:$0x3F99]  }
0x1a: {  	s8 =	sadd.s32 $0xFFFFE003, lr  }
0x1b: {  	s9 =	sadd.s32 $0xFFFFFEF7, lr;
	s5 =	simm.s32 $0xFFFFFFFF;
	p2 =	slt.u32 s8, $0xFFFFF086  }
0x1c: {  	p1 =	slt.u32 s9, $0xF7A;
	s5 =	simm.s32 @!p2 $0x0  }
0x1d: {  	s5 =	simm.s32 @p1 $0x1;
	p0 =	seq.s32 s7, s2  }
0x1e: {  	s7 =	smul.u32 @!p0 $0xF7A, s2;
	p2 =	seq.s32 @!p0 s5, $0x0  }
0x1f: {  	s9 =	smul.u32 $0xF7A, s1;
	s8 =	simm.s32 @!p0 $0x1BF5;
	p2 =	por !p2, p0  }
0x20: {  	[sflag:s8] =	ssyncset.s32 @!p0 $0xFFFFF086;
	s6 =	sadd.s32 @!p0 s3, s7;
	s7 =	simm.s32 @!p0 $0x108  }
0x21: {  	s3 =	sadd.s32 s3, s9;
	s6 =	sadd.s32 @!p0 $0x88, s6;
	s7 =	simm.s32 @p2 $0x1082  }
0x22: {  	[simem:s7], [sflag:s8] =	dma.local @!p0 [hbm:s6], $0xF7A  }
0x23: {  	s9 =	sor.u32 $0xD0000000, s2;
	s6 =	simm.s32 $0x108;
	_ =	swait.ge @!p0 [sflag:s8], $0x0  }
0x24: {  	s3 =	sadd.s32 $0x88, s3;
	s6 =	simm.s32 @!p1 $0x1082;
	[sflag:s4] =	ssyncset.s32 $0xFFFFF086  }
0x25: {  	[simem:s6], [sflag:s4] =	dma.local [hbm:s3], $0xF7A  }
0x26: {  	[smem:$0x3F99] =	sst s1;
	(tag) =	ssettag s2;
	_ =	strace s9  }
0x27: {  	s1 =	sld [smem:$0x3FA9]  }
0x28: {  	s2 =	sld [smem:$0x3FAA]  }
0x29: {  	s4 =	sld [smem:$0x3FAC]  }
0x2a: {  	p0 =	seq.s32 s5, $0x0;
	s5 =	sld [smem:$0x3FAD]  }
0x2b: {  	s6 =	sld [smem:$0x3FAE]  }
0x2c: {  	s7 =	sld [smem:$0x3FAF]  }
0x2d: {  	s3 =	simm.s32 $0x108;
	s8 =	sld [smem:$0x3FB0]  }
0x2e: {  	s3 =	simm.s32 @!p0 $0x1082;
	s9 =	sld [smem:$0x3FB1]  }
0x2f: {  	lr =	sadd.s32 s0, s3;
	s0 =	sld [smem:$0x3FA8]  }
0x30: {  	s3 =	sld [smem:$0x3FAB]  }
0x31: {  	[smem:$0x3FB4] =	sst s10  }
0x32: {  	s10 =	sld [smem:$0x3FB2];
	_ =	sdelay $0x3  }
0x33: {  	p0 =	seq.s32 s10, $0x1;
	s10 =	sld [smem:$0x3FB4];
	_ =	sdelay $0x3  }
0x34: {  	[smem:$0x3FB4] =	sst s10  }
0x35: {  	s10 =	sld [smem:$0x3FB3];
	_ =	sdelay $0x3  }
0x36: {  	p1 =	seq.s32 s10, $0x1;
	s10 =	sld [smem:$0x3FB4];
	_ =	sdelay $0x3  }
0x37: {  	[smem:$0x3FB4] =	sst s10  }
0x38: {  	s10 =	sld [smem:$0x3FB5]  }
0x39: {  	_ = 	snop;
	(pc) =	sbr.ind lr, $3  }
0x3a: {  	_ = 	snop  }
0x3b: {  	_ = 	snop  }
0x3c: {  	p2 =	seq.s32 s10, $0x1;
	s10 =	sld [smem:$0x3FB4]  }
0x3d: {  	_ =	shalt  }
0x3e: {  	_ =	shalt  }
0x3f: {  	_ =	shalt  }
0x40: {  	_ =	shalt  }
0x41: {  	_ =	shalt  }
0x42: {  	_ =	shalt  }
0x43: {  	_ =	shalt  }
0x44: {  	_ =	shalt  }
0x45: {  	_ =	shalt  }
0x46: {  	_ =	shalt  }
0x47: {  	_ =	shalt  }
0x48: {  	_ =	shalt  }
0x49: {  	_ =	shalt  }
0x4a: {  	_ =	shalt  }
0x4b: {  	_ =	shalt  }
0x4c: {  	_ =	shalt  }
0x4d: {  	_ =	shalt  }
0x4e: {  	_ =	shalt  }
0x4f: {  	_ =	shalt  }
0x50: {  	_ =	shalt  }
0x51: {  	_ =	shalt  }
0x52: {  	_ =	shalt  }
0x53: {  	_ =	shalt  }
0x54: {  	_ =	shalt  }
0x55: {  	_ =	shalt  }
0x56: {  	_ =	shalt  }
0x57: {  	_ =	shalt  }
0x58: {  	_ =	shalt  }
0x59: {  	_ =	shalt  }
0x5a: {  	_ =	shalt  }
0x5b: {  	_ =	shalt  }
0x5c: {  	_ =	shalt  }
0x5d: {  	_ =	shalt  }
0x5e: {  	_ =	shalt  }
0x5f: {  	_ =	shalt  }
0x60: {  	_ =	shalt  }
0x61: {  	_ =	shalt  }
0x62: {  	_ =	shalt  }
0x63: {  	_ =	shalt  }
0x64: {  	_ =	shalt  }
0x65: {  	_ =	shalt  }
0x66: {  	_ =	shalt  }
0x67: {  	_ =	shalt  }
0x68: {  	_ =	shalt  }
0x69: {  	_ =	shalt  }
0x6a: {  	_ =	shalt  }
0x6b: {  	_ =	shalt  }
0x6c: {  	_ =	shalt  }
0x6d: {  	_ =	shalt  }
0x6e: {  	_ =	shalt  }
0x6f: {  	_ =	shalt  }
0x70: {  	_ =	shalt  }
0x71: {  	_ =	shalt  }
0x72: {  	_ =	shalt  }
0x73: {  	_ =	shalt  }
0x74: {  	_ =	shalt  }
0x75: {  	_ =	shalt  }
0x76: {  	_ =	shalt  }
0x77: {  	_ =	shalt  }
0x78: {  	_ =	shalt  }
0x79: {  	_ =	shalt  }
0x7a: {  	_ =	shalt  }
0x7b: {  	_ =	shalt  }
0x7c: {  	_ =	shalt  }
0x7d: {  	_ =	shalt  }
0x7e: {  	_ =	shalt  }
0x7f: {  	_ =	shalt  }
0x80: {  	_ =	shalt  }
0x81: {  	_ =	shalt  }
0x82: {  	_ =	shalt  }
0x83: {  	_ =	shalt  }
0x84: {  	_ =	shalt  }
0x85: {  	_ =	shalt  }
0x86: {  	_ =	shalt  }
0x87: {  	_ =	shalt  }
.Lfunc_end0:
.L_simem_size_0:
called_computation.1_lowered:
.L_overlay_start_0:
0x88: {  	s2 =	sld [smem:$0x3FD9]  }
0x89: {  	s3 =	sld [smem:$0x3FFE];
	_ =	sdelay $0x1  }
0x8a: {  	s1 =	srdreg.scid  }
0x8b: {  	s0 =	sand.u32 $0x1, s1  }
0x8c: {  	s17 =	sshll.u32 s0, $0xA;
	s2 =	sadd.s32 s3, s2  }
0x8d: {  	s2 =	sadd.s32 s2, s17  }
0x8e: {  	[smem:$0x3FC0] =	sst s2  }
0x8f: {  	_ = 	snop  }
0x90: {  	s18 =	sld [smem:$0x3FC2];
	(tm) =	ssettm $0x1  }
0x91: {  	s19 =	sld [smem:$0x3FFB];
	_ =	sdelay $0x3  }
0x92: {  	_ =	strace s19  }
0x93: {  	s2 =	sld [smem:$0x3FFC];
	_ =	sdelay $0x3  }
0x94: {  	_ =	strace s2  }
0x95: {  	s2 =	sld [smem:$0x3FFD];
	_ =	sdelay $0x3  }
0x96: {  	_ =	strace s2  }
0x97: {  	_ =	strace $0x8FFFFFFF  }
0x98: {  	s20 =	sld [smem:$0x3FDB];
	_ =	sdelay $0x1  }
0x99: {  	s4 =	simm.s32 $_scs_section_size  }
0x9a: {  	s5 =	simm.s32 $_size__tile_overlayer_lowered;
	s6 =	simm.s32 $_tile_overlayer_lowered  }
0x9b: {  	s7 =	simm.s32 $0x1BFF;
	s21 =	sshll.u32 s6, $0x1;
	s4 =	sadd.s32 s4, s20  }
0x9c: {  	s22 =	simm.s32 $0x0;
	s5 =	sshll.u32 s5, $0x1;
	s6 =	sadd.s32 s21, s4  }
0x9d: {  	[timem:s22], [sflag:s7] =	dma.local [hbm:s6], s5  }
0x9e: {  	_ =	swait.ge [sflag:s7], s5  }
0x9f: {  	s5 =	ssub.s32 $0x0, s5;
	[sflag:s7] =	ssyncset.done $0x0  }
0xa0: {  	[sflag:s7] =	ssyncadd.s32 s5;
	_ =	sdelay $0x1  }
0xa1: {  	s23 =	simm.s32 $0x1B8B  }
0xa2: {  	_ =	swait.ge [sflag:s23], $0x1  }
0xa3: {  	[sflag:s23] =	ssyncset.done $0x0  }
0xa4: {  	[sflag:s23] =	ssyncadd.s32 $0xFFFFFFFF  }
0xa5: {  	s5 =	sld [smem:$0x0]  }
0xa6: {  	s6 =	sand.u32 $0xFFFFFFFE, s1  }
0xa7: {  	p0 =	sne.s32 s1, s6  }
0xa8: {  	s6 =	sshll.u32 @p0 s6, $0xE  }
0xa9: {  	s6 =	sadd.s32 @p0 $0x11B8D, s6;
	s7 =	sshll.u32 @p0 s5, $0x11  }
0xaa: {  	s6 =	sor.u32 @p0 s7, s6  }
0xab: {  	[sflag:s6] =	ssyncadd.remote.s32 @p0 $0x1;
	_ =	sdelay $0x1  }
0xac: {  	s6 =	simm.s32 @p0 $0x1B8D  }
0xad: {  	_ =	swait.eq @p0 [sflag:s6], $0x1  }
0xae: {  	[sflag:s6] =	ssyncadd.s32 @p0 $0xFFFFFFFF  }
0xaf: {  	s7 =	sshll.u32 @!p0 s1, $0xE  }
0xb0: {  	s7 =	sor.u32 @!p0 $0x4000, s7;
	s6 =	simm.s32 @!p0 $0x1B8D  }
0xb1: {  	s5 =	sshll.u32 @!p0 s5, $0x11;
	s7 =	sadd.s32 @!p0 $0x11B8D, s7;
	_ =	swait.eq @!p0 [sflag:s6], $0x1  }
0xb2: {  	s5 =	sor.u32 @!p0 s5, s7;
	[sflag:s6] =	ssyncadd.s32 @!p0 $0xFFFFFFFF  }
0xb3: {  	s25 =	simm.s32 $0x1B8E;
	s24 =	sld [smem:$0x3FFE];
	[sflag:s5] =	ssyncadd.remote.s32 @!p0 $0x1  }
0xb4: {  	s26 =	simm.s32 $execute0_lowered;
	[smem:$0x3FD2] =	sst s25  }
0xb5: {  	s6 =	sshll.u32 s26, $0x1;
	_ =	strace $0x80000049;
	[dreg:$0x1] =	wrdreg $0xFFFFFFFF  }
0xb6: {  	s28 =	simm.s32 $_size_execute0_lowered;
	s4 =	sadd.s32 s4, s6;
	[dreg:$0x0] =	wrdreg $0x0  }
0xb7: {  	s6 =	sshll.u32 s28, $0x1;
	[dreg:$0x2] =	wrdreg s4  }
0xb8: {  	[dreg:$0x3] =	wrdreg s6  }
0xb9: {  	[dreg:$0x4] =	wrdreg $0xC0  }
0xba: {  	_ =	task [dreg:s22], $0x5FFFF  }
0xbb: {  	[dreg:$0x1] =	wrdreg $0xFFFFFFFF  }
0xbc: {  	[dreg:$0x0] =	wrdreg $0x60  }
0xbd: {  	[dreg:$0x2] =	wrdreg s24  }
0xbe: {  	[dreg:$0x3] =	wrdreg s18  }
0xbf: {  	[dreg:$0x4] =	wrdreg $0xA  }
0xc0: {  	_ =	task.clear_ibuf [dreg:s22], $0x5FFFF;
	_ =	strace $0x90000049  }
0xc1: {  	s29 =	simm.s32 $0xA;
	_ =	strace $0x8000004B  }
0xc2: {  	_ =	swait.ge [sflag:s29], $0x1  }
0xc3: {  	[sflag:s29] =	ssyncadd.s32 $0xFFFFFFFF  }
0xc4: {  	_ =	strace $0x9000004B  }
0xc5: {  	_ =	sfence  }
0xc6: {  	s30 =	sld [smem:$0x0];
	_ =	sdelay $0x2  }
0xc7: {  	s31 =	sshll.u32 s1, $0xD;
	s1 =	sshrl.u32 s1, $0x2  }
0xc8: {  	s4 =	sand.u32 $0x4000, s31;
	s1 =	sadd.s32 s1, s30  }
0xc9: {  	s0 =	sor.u32 s4, s0;
	s1 =	sshll.u32 s1, $0x11  }
0xca: {  	s0 =	sor.u32 s1, s0  }
0xcb: {  	s0 =	sadd.s32 $0x8F2B, s0  }
0xcc: {  	[sflag:s0] =	ssyncadd.remote.s32 $0x1  }
0xcd: {  	_ =	sfence.sel $0xFFFF  }
0xce: {  	[dreg:$0x0] =	wrdreg $0xFFFFFFFF;
	(pc) =	sbr.abs _section_cstart, $3  }
0xcf: {  	[dreg:$0x1] =	wrdreg $0xFFFFFFFF  }
0xd0: {  	_ =	task.clear_ibuf [dreg:s22], $0x2FFFF;
	_ =	strace $0x9FFFFFFF  }
0xd1: {  	(tm) =	ssettm $0x7FFFFFFF  }
tec
execute0_lowered:
.L_overlay_start_1:
0x0: {  	(tag) =	ssettag $0x1  }
0x1: {  	s1 =	srdreg.scid  }
0x2: {  	s9 =	rddreg [dreg:$0x0];
	s0 =	stileid.u32;
	s13 =	sand.u32 $0x1, s1  }
0x3: {  	s3 =	rddreg [dreg:$0x1];
	s5 =	sshll.u32 s0, $0x9;
	s4 =	sshll.u32 s13, $0xD  }
0x4: {  	s2 =	simm.s32 $0x0;
	s1 =	rddreg [dreg:$0x2];
	s10 =	sor.u32 s5, s4  }
0x5: {  	[smem:$0x7FF] =	sst s2;
	s4 =	sshrl.u32 s10, $0x3  }
0x6: {  	_ =	strace $0x8000004A;
	s4 =	sadd.s32 s3, s4;
	s3 =	simm.s32 $0x2  }
0x7: {  	[tilespmem:s2], [sflag:$0x2] =	stream.linear.gather [hbm4b:s4+s2], $0x200, $0x38;
	[tilespmem:$0x2200] =	vst v63  }
0x8: {  	_ =	swait.ge [sflag:s3], $0x200  }
0x9: {  	s6 =	simm.s32 $0x80;
	s7 =	simm.s32 $0x200;
	[sflag:s3] =	ssyncset.done $0x0  }
0xa: {  	s8 =	simm.s32 $0x1;
	s5 =	sadd.s32 $0xFA1A00, s9;
	[sflag:s3] =	ssyncadd.s32 $0xFFFFFE00  }
0xb: {  	[tilespmem:s7], [sflag:$0x1] =	stream.indirect.gather [hbm4b:s5+s6], $0x40, s2, s6, $0xb8;
	[tilespmem:$0x2200] =	vst v63  }
0xc: {  	s10 =	sshll.u32 s10, $0x3;
	_ =	swait.ge [sflag:s8], $0x2000  }
0xd: {  	s14 =	sadd.s32 s10, s9;
	[sflag:s8] =	ssyncset.done $0x0  }
0xe: {  	s9 =	sadd.s32 $0x5F600, s14;
	[sflag:s8] =	ssyncadd.s32 $0xFFFFE000  }
0xf: {  	[hbm4b:s9+s2] =	stream.linear.scatter [tilespmem:s7], [sflag:$0x2], $0x2000, $0x38;
	[tilespmem:$0x2200] =	vst v63  }
0x10: {  	_ =	swait.ge [sflag:s3], $0x2000  }
0x11: {  	[sflag:s3] =	ssyncset.done $0x0  }
0x12: {  	[sflag:s3] =	ssyncadd.s32 $0xFFFFE000  }
0x13: {  	[tilespmem:s7], [sflag:$0x1] =	stream.indirect.gather [hbm4b:s5+s6], $0x40, s6, s6, $0xb8;
	[tilespmem:$0x2200] =	vst v63  }
0x14: {  	_ =	swait.ge [sflag:s8], $0x2000  }
0x15: {  	[sflag:s8] =	ssyncset.done $0x0  }
0x16: {  	s10 =	sadd.s32 $0x5FA00, s14;
	[sflag:s8] =	ssyncadd.s32 $0xFFFFE000  }
0x17: {  	[hbm4b:s10+s2] =	stream.linear.scatter [tilespmem:s7], [sflag:$0x2], $0x2000, $0x38;
	[tilespmem:$0x2200] =	vst v63  }
0x18: {  	_ =	swait.ge [sflag:s3], $0x2000  }
0x19: {  	[sflag:s3] =	ssyncset.done $0x0  }
0x1a: {  	s11 =	simm.s32 $0x100;
	[sflag:s3] =	ssyncadd.s32 $0xFFFFE000  }
0x1b: {  	[tilespmem:s7], [sflag:$0x1] =	stream.indirect.gather [hbm4b:s5+s6], $0x40, s11, s6, $0xb8;
	[tilespmem:$0x2200] =	vst v63  }
0x1c: {  	_ =	swait.ge [sflag:s8], $0x2000  }
0x1d: {  	[sflag:s8] =	ssyncset.done $0x0  }
0x1e: {  	s15 =	ssub.s32 $0x2, s13;
	s12 =	sadd.s32 $0x5FE00, s14;
	[sflag:s8] =	ssyncadd.s32 $0xFFFFE000  }
0x1f: {  	[hbm4b:s12+s2] =	stream.linear.scatter [tilespmem:s7], [sflag:$0x2], $0x2000, $0x38;
	[tilespmem:$0x2200] =	vst v63  }
0x20: {  	s16 =	sshrl.u32 s15, $0x1;
	_ =	swait.ge [sflag:s3], $0x2000  }
0x21: {  	s15 =	ssub.s32 s15, s16;
	[sflag:s3] =	ssyncset.done $0x0  }
0x22: {  	s13 =	simm.s32 $0x180;
	s15 =	smax.u32 s15, $0x1;
	[sflag:s3] =	ssyncadd.s32 $0xFFFFE000  }
0x23: {  	[tilespmem:s7], [sflag:$0x1] =	stream.indirect.gather [hbm4b:s5+s6], $0x40, s13, s6, $0xb8;
	[tilespmem:$0x2200] =	vst v63  }
0x24: {  	p0 =	sne.s32 s15, $0x1;
	_ =	swait.ge [sflag:s8], $0x2000  }
.Ltmp0:
0x25: {  	[sflag:s8] =	ssyncset.done $0x0;
	(pc) =	sbr.rel @!p0 .LBB2_2-.Ltmp0, $4  }
0x26: {  	s14 =	sadd.s32 $0x60200, s14;
	[sflag:s8] =	ssyncadd.s32 $0xFFFFE000  }
0x27: {  	[hbm4b:s14+s2] =	stream.linear.scatter [tilespmem:s7], [sflag:$0x2], $0x2000, $0x38;
	[tilespmem:$0x2200] =	vst v63  }
0x28: {  	_ =	swait.ge [sflag:s3], $0x2000  }
0x29: {  	s15 =	sadd.s32 $0xFFFFFFFF, s15;
	[sflag:s3] =	ssyncset.done $0x0  }
.LBB2_1:
0x2a: {  	p0 =	sne.s32 s15, $0x1;
	s15 =	sadd.s32 $0xFFFFFFFF, s15;
	[sflag:s3] =	ssyncadd.s32 $0xFFFFE000  }
0x2b: {  	[tilespmem:s2], [sflag:$0x2] =	stream.linear.gather [hbm4b:s4+s2], $0x200, $0x38;
	[tilespmem:$0x2200] =	vst v63  }
0x2c: {  	_ =	swait.ge [sflag:s3], $0x200  }
0x2d: {  	[sflag:s3] =	ssyncset.done $0x0  }
0x2e: {  	[sflag:s3] =	ssyncadd.s32 $0xFFFFFE00  }
0x2f: {  	[tilespmem:s7], [sflag:$0x1] =	stream.indirect.gather [hbm4b:s5+s6], $0x40, s2, s6, $0xb8;
	[tilespmem:$0x2200] =	vst v63  }
0x30: {  	_ =	swait.ge [sflag:s8], $0x2000  }
0x31: {  	[sflag:s8] =	ssyncset.done $0x0  }
0x32: {  	[sflag:s8] =	ssyncadd.s32 $0xFFFFE000  }
0x33: {  	[hbm4b:s9+s2] =	stream.linear.scatter [tilespmem:s7], [sflag:$0x2], $0x2000, $0x38;
	[tilespmem:$0x2200] =	vst v63  }
0x34: {  	_ =	swait.ge [sflag:s3], $0x2000  }
0x35: {  	[sflag:s3] =	ssyncset.done $0x0  }
0x36: {  	[sflag:s3] =	ssyncadd.s32 $0xFFFFE000  }
0x37: {  	[tilespmem:s7], [sflag:$0x1] =	stream.indirect.gather [hbm4b:s5+s6], $0x40, s6, s6, $0xb8;
	[tilespmem:$0x2200] =	vst v63  }
0x38: {  	_ =	swait.ge [sflag:s8], $0x2000  }
0x39: {  	[sflag:s8] =	ssyncset.done $0x0  }
0x3a: {  	[sflag:s8] =	ssyncadd.s32 $0xFFFFE000  }
0x3b: {  	[hbm4b:s10+s2] =	stream.linear.scatter [tilespmem:s7], [sflag:$0x2], $0x2000, $0x38;
	[tilespmem:$0x2200] =	vst v63  }
0x3c: {  	_ =	swait.ge [sflag:s3], $0x2000  }
0x3d: {  	[sflag:s3] =	ssyncset.done $0x0  }
0x3e: {  	[sflag:s3] =	ssyncadd.s32 $0xFFFFE000  }
0x3f: {  	[tilespmem:s7], [sflag:$0x1] =	stream.indirect.gather [hbm4b:s5+s6], $0x40, s11, s6, $0xb8;
	[tilespmem:$0x2200] =	vst v63  }
0x40: {  	_ =	swait.ge [sflag:s8], $0x2000  }
0x41: {  	[sflag:s8] =	ssyncset.done $0x0  }
0x42: {  	[sflag:s8] =	ssyncadd.s32 $0xFFFFE000  }
0x43: {  	[hbm4b:s12+s2] =	stream.linear.scatter [tilespmem:s7], [sflag:$0x2], $0x2000, $0x38;
	[tilespmem:$0x2200] =	vst v63  }
0x44: {  	_ =	swait.ge [sflag:s3], $0x2000  }
0x45: {  	[sflag:s3] =	ssyncset.done $0x0  }
0x46: {  	[sflag:s3] =	ssyncadd.s32 $0xFFFFE000  }
0x47: {  	[tilespmem:s7], [sflag:$0x1] =	stream.indirect.gather [hbm4b:s5+s6], $0x40, s13, s6, $0xb8;
	[tilespmem:$0x2200] =	vst v63  }
0x48: {  	_ =	swait.ge [sflag:s8], $0x2000  }
.Ltmp1:
0x49: {  	[sflag:s8] =	ssyncset.done $0x0;
	(pc) =	sbr.rel @p0 .LBB2_1-.Ltmp1, $4  }
0x4a: {  	[sflag:s8] =	ssyncadd.s32 $0xFFFFE000  }
0x4b: {  	[hbm4b:s14+s2] =	stream.linear.scatter [tilespmem:s7], [sflag:$0x2], $0x2000, $0x38;
	[tilespmem:$0x2200] =	vst v63  }
0x4c: {  	_ =	swait.ge [sflag:s3], $0x2000  }
0x4d: {  	[sflag:s3] =	ssyncset.done $0x0  }
.LBB2_2:
0x4e: {  	[sflag:s3] =	ssyncadd.s32 $0xFFFFE000  }
0x4f: {  	_ =	sfence.sel $0x180000  }
0x50: {  	[bflag:$0x0] =	sbarrier.arrive $0xFFFF  }
0x51: {  	p0 =	sne.s32 s0, $0x0;
	_ =	strace $0x9000004A  }
0x52: {  	s0 =	sadd.s32 @!p0 $0x100000, s1;
	[bflag:$0x2] =	sbarrier.arrive $0xFFFF  }
0x53: {  	[sflag:s0] =	ssyncadd.tile.s32 @!p0 $0x1;
	_ =	shalt  }
.Lfunc_end2:
_tile_overlayer_lowered:
.L_overlay_start_2:
0x54: {  	(tag) =	ssettag $0x2  }
0x55: {  	s0 =	rddreg [dreg:$0x0];
	s2 =	stileid.u32  }
0x56: {  	s1 =	rddreg [dreg:$0x1];
	p0 =	sne.s32 s2, $0x0  }
0x57: {  	s3 =	rddreg [dreg:$0x2];
	[bflag:$0x3] =	sbarrier.arrive $0xFFFF;
	s2 =	simm.s32 @!p0 $0x1C02  }
0x58: {  	[timem:s3], [sflag:s2] =	dma.local @!p0 [hbm:s0], s1  }
0x59: {  	s0 =	simm.s32 @!p0 $0x2  }
0x5a: {  	_ =	swait.ge @!p0 [sflag:s0], s1  }
0x5b: {  	s1 =	ssub.s32 @!p0 $0x0, s1;
	[sflag:s0] =	ssyncset.done @!p0 $0x0  }
0x5c: {  	[sflag:s0] =	ssyncadd.s32 @!p0 s1  }
0x5d: {  	[bflag:$0x3] =	sbarrier.arrive $0xFFFF  }
0x5e: {  	_ =	shalt  }

</sc_bundles>
